<compile_context>
chip_gen: v7x
topology: tpu7x:2x2x1
jax: 0.10.2.dev20260603
libtpu: 0.0.44.dev20260713+nightly
codegen_flags: <defaults>
</compile_context>

<pallas_src>
import functools

import jax
import jax.numpy as jnp
from jax import lax
from jax.experimental import pallas as pl
from jax.experimental.pallas import tpu as pltpu
from jax.experimental.pallas import tpu_sc as plsc

N_NODES = 10000
N_EDGES = 320000
D = 128
N_PAD = 10240
NC = 2
NS = 16
NW = NC * NS
CH = 128
NCHUNKS = N_EDGES // CH
DH = D // 2
_RPT = N_PAD // NS

_DEG_Q, _DEG_R = divmod(NCHUNKS, NW)
_AGG_Q, _AGG_R = divmod(NCHUNKS, NS)

_mesh = plsc.VectorSubcoreMesh(core_axis_name="c", subcore_axis_name="s")
_sc_params = pltpu.CompilerParams(use_tc_tiling_on_sc=False)


@functools.partial(
    pl.kernel,
    out_type=jax.ShapeDtypeStruct((NC, N_PAD), jnp.float32),
    mesh=_mesh,
    scratch_types=[
        pltpu.VMEM((2, CH), jnp.int32),
        pltpu.VMEM((CH,), jnp.float32),
        pltpu.VMEM((_RPT,), jnp.float32),
        pltpu.VMEM_SHARED((N_PAD,), jnp.float32),
        pltpu.SemaphoreType.DMA,
        pltpu.SemaphoreType.DMA,
    ],
    compiler_params=_sc_params,
)
def _sc_degs(ei_hbm, out_hbm, dst_b, ones_v, zero_v, degs_sh, sem0, sem1):
    c = lax.axis_index("c")
    s = lax.axis_index("s")
    wid = c * NS + s
    r0 = s * _RPT
    nch = _DEG_Q + jnp.where(wid < _DEG_R, 1, 0)
    base = _DEG_Q * wid + jnp.minimum(wid, _DEG_R)

    def fill(i, carry):
        zero_v[pl.ds(i * 16, 16)] = jnp.zeros((16,), jnp.float32)
        return carry

    lax.fori_loop(0, _RPT // 16, fill, 0)
    for i in range(CH // 16):
        ones_v[pl.ds(i * 16, 16)] = jnp.ones((16,), jnp.float32)
    pltpu.sync_copy(zero_v, degs_sh.at[pl.ds(r0, _RPT)])

    def load_idx(chunk, slot, sem):
        pltpu.async_copy(ei_hbm.at[1, pl.ds((base + chunk) * CH, CH)],
                         dst_b.at[slot], sem)

    def wait_idx(sem):
        pltpu.make_async_copy(ei_hbm.at[1, pl.ds(0, CH)], dst_b.at[0], sem).wait()

    load_idx(0, 0, sem0)
    load_idx(1, 1, sem1)
    plsc.subcore_barrier()

    def body(j, carry):
        i0 = 2 * j
        i1 = i0 + 1
        wait_idx(sem0)
        pltpu.sync_copy(ones_v, degs_sh.at[dst_b.at[0]], add=True)

        @pl.when(i0 + 2 < nch)
        def _():
            load_idx(i0 + 2, 0, sem0)

        wait_idx(sem1)
        pltpu.sync_copy(ones_v, degs_sh.at[dst_b.at[1]], add=True)

        @pl.when(i1 + 2 < nch)
        def _():
            load_idx(i1 + 2, 1, sem1)

        return carry

    lax.fori_loop(0, _DEG_Q // 2, body, 0)

    @pl.when(nch > _DEG_Q)
    def _():
        wait_idx(sem0)
        pltpu.sync_copy(ones_v, degs_sh.at[dst_b.at[0]], add=True)

    plsc.subcore_barrier()
    pltpu.sync_copy(degs_sh.at[pl.ds(r0, _RPT)],
                    out_hbm.at[c, pl.ds(r0, _RPT)])


@functools.partial(
    pl.kernel,
    out_type=jax.ShapeDtypeStruct((N_PAD, D), jnp.float32),
    mesh=_mesh,
    scratch_types=[
        pltpu.VMEM((4, CH), jnp.int32),
        pltpu.VMEM((4, CH), jnp.int32),
        pltpu.VMEM((CH, DH), jnp.float32),
        pltpu.VMEM((CH, DH), jnp.float32),
        pltpu.VMEM((CH, DH), jnp.float32),
        pltpu.VMEM((CH, DH), jnp.float32),
        pltpu.VMEM_SHARED((N_PAD, DH), jnp.float32),
        pltpu.VMEM_SHARED((N_PAD, DH), jnp.float32),
        pltpu.SemaphoreType.DMA,
        pltpu.SemaphoreType.DMA,
        pltpu.SemaphoreType.DMA,
        pltpu.SemaphoreType.DMA,
        pltpu.SemaphoreType.DMA,
        pltpu.SemaphoreType.DMA,
        pltpu.SemaphoreType.DMA,
        pltpu.SemaphoreType.DMA,
        pltpu.SemaphoreType.DMA,
        pltpu.SemaphoreType.DMA,
    ],
    compiler_params=_sc_params,
)
def _sc_agg(h_hbm, ei_hbm, out_hbm,
            src_b, dst_b, b0, b1, b2, b3, h_sh, acc_sh,
            g0, g1, g2, g3, s0, s1, s2, s3, sem_i01, sem_i23):
    c = lax.axis_index("c")
    s = lax.axis_index("s")
    r0 = s * _RPT
    bufs = (b0, b1, b2, b3)
    gsems = (g0, g1, g2, g3)
    ssems = (s0, s1, s2, s3)
    nch = _AGG_Q + jnp.where(s < _AGG_R, 1, 0)
    base = _AGG_Q * s + jnp.minimum(s, _AGG_R)

    def fill(i, carry):
        for k in range(DH // 16):
            b0[i, pl.ds(k * 16, 16)] = jnp.zeros((16,), jnp.float32)
        return carry

    lax.fori_loop(0, CH, fill, 0)
    for k in range(_RPT // CH):
        pltpu.sync_copy(b0, acc_sh.at[pl.ds(r0 + k * CH, CH)])
    pltpu.sync_copy(h_hbm.at[pl.ds(r0, _RPT), pl.ds(c * DH, DH)],
                    h_sh.at[pl.ds(r0, _RPT)])

    def load_idx(chunk, slot, sem):
        off = (base + chunk) * CH
        pltpu.async_copy(ei_hbm.at[0, pl.ds(off, CH)], src_b.at[slot], sem)
        pltpu.async_copy(ei_hbm.at[1, pl.ds(off, CH)], dst_b.at[slot], sem)

    def wait_idx(sem, n):
        for _ in range(n):
            pltpu.make_async_copy(ei_hbm.at[0, pl.ds(0, CH)],
                                  src_b.at[0], sem).wait()

    def gather(slot, buf, sem):
        pltpu.async_copy(h_sh.at[src_b.at[slot]], buf, sem)

    def wait_gather(buf, sem):
        pltpu.make_async_copy(h_sh.at[src_b.at[0]], buf, sem).wait()

    def scatter(slot, buf, sem):
        pltpu.async_copy(buf, acc_sh.at[dst_b.at[slot]], sem, add=True)

    def wait_scatter(buf, sem):
        pltpu.make_async_copy(buf, acc_sh.at[dst_b.at[0]], sem).wait()

    load_idx(0, 0, sem_i01)
    load_idx(1, 1, sem_i01)
    load_idx(2, 2, sem_i23)
    load_idx(3, 3, sem_i23)
    plsc.subcore_barrier()

    NJ = _AGG_Q // 4

    def body(j, carry):
        c0 = 4 * j
        wait_idx(sem_i01, 4)
        gather(0, b0, g0)
        gather(1, b1, g1)
        wait_idx(sem_i23, 4)
        gather(2, b2, g2)
        gather(3, b3, g3)
        wait_gather(b0, g0)
        scatter(0, b0, s0)
        wait_gather(b1, g1)
        scatter(1, b1, s1)
        wait_gather(b2, g2)
        scatter(2, b2, s2)
        wait_gather(b3, g3)
        scatter(3, b3, s3)
        wait_scatter(b0, s0)
        wait_scatter(b1, s1)

        @pl.when(c0 + 4 < nch)
        def _():
            load_idx(c0 + 4, 0, sem_i01)

        @pl.when(c0 + 5 < nch)
        def _():
            load_idx(c0 + 5, 1, sem_i01)

        wait_scatter(b2, s2)
        wait_scatter(b3, s3)

        @pl.when(c0 + 6 < nch)
        def _():
            load_idx(c0 + 6, 2, sem_i23)

        @pl.when(c0 + 7 < nch)
        def _():
            load_idx(c0 + 7, 3, sem_i23)

        return carry

    lax.fori_loop(0, NJ, body, 0)

    @pl.when(nch > _AGG_Q)
    def _():
        wait_idx(sem_i01, 2)
        gather(0, b0, g0)
        wait_gather(b0, g0)
        scatter(0, b0, s0)
        wait_scatter(b0, s0)

    plsc.subcore_barrier()
    pltpu.sync_copy(acc_sh.at[pl.ds(r0, _RPT)],
                    out_hbm.at[pl.ds(r0, _RPT), pl.ds(c * DH, DH)])


def _tc_prescale_body(degs_ref, feat_ref, h_ref):
    d = degs_ref[0] + degs_ref[1]
    norm = jnp.where(d > 0.0, lax.rsqrt(d), 0.0)
    h_ref[:N_NODES] = feat_ref[...] * norm[:N_NODES]
    h_ref[N_NODES:] = jnp.zeros((N_PAD - N_NODES, D), jnp.float32)


def _tc_finish_body(agg_ref, degs_ref, w_ref, b_ref, out_ref):
    a = agg_ref[:N_NODES]
    d = degs_ref[0, :N_NODES] + degs_ref[1, :N_NODES]
    norm = jnp.where(d > 0.0, lax.rsqrt(d), 0.0)
    h2 = a * norm
    out = lax.dot_general(h2, w_ref[...],
                          dimension_numbers=(((1,), (1,)), ((), ())),
                          preferred_element_type=jnp.float32)
    out_ref[...] = out + b_ref[...]


def kernel(features, edge_index, W, b):
    features = features.astype(jnp.float32)
    ei = edge_index.astype(jnp.int32)

    degs_p = _sc_degs(ei)
    degs_p3 = degs_p[:, :, None]

    h = pl.pallas_call(
        _tc_prescale_body,
        out_shape=jax.ShapeDtypeStruct((N_PAD, D), jnp.float32),
    )(degs_p3, features)

    agg = _sc_agg(h, ei)

    out = pl.pallas_call(
        _tc_finish_body,
        out_shape=jax.ShapeDtypeStruct((N_NODES, D), jnp.float32),
    )(agg, degs_p3, W.astype(jnp.float32), b.reshape(1, D).astype(jnp.float32))
    return out

# --- scband reference (transcript-rebuilt; emitter-appended) ---
"""Pipeline reference for scband-gcnlayer-30605936951715 (READ-ONLY COPY).

The authoritative reference and input builder live on the scoring server;
editing this copy changes nothing except your own understanding.
"""

import jax, jax.numpy as jnp
import numpy as np

N_NODES = 10000
N_EDGES = 320000
D_IN = 128
D_OUT = 128


def setup_inputs(seed: int = 0) -> dict:
    key = jax.random.key(seed)
    k1, k2, k3, k4 = jax.random.split(key, 4)
    features = jax.random.normal(k1, (N_NODES, D_IN), dtype=jnp.float32)
    edge_index = jax.random.randint(k2, (2, N_EDGES), 0, N_NODES, dtype=jnp.int64)
    # Linear layer parameters (nn.Linear(in_dim, out_dim)): W [out, in], b [out]
    bound = 1.0 / np.sqrt(D_IN)
    W = jax.random.uniform(k3, (D_OUT, D_IN), minval=-bound, maxval=bound, dtype=jnp.float32)
    b = jax.random.uniform(k4, (D_OUT,), minval=-bound, maxval=bound, dtype=jnp.float32)
    return {"features": features, "edge_index": edge_index, "W": W, "b": b}


def reference(features, edge_index, W, b):
    src = edge_index[0]
    dst = edge_index[1]
    n = features.shape[0]
    # in-degrees (number of incoming edges per destination node)
    degs = jnp.zeros((n,), dtype=jnp.float32).at[dst].add(1.0)
    norm = jnp.power(degs, -0.5)
    norm = jnp.where(jnp.isinf(norm), 0.0, norm)
    norm = norm[:, None]
    # graph_norm pre-scaling
    h = features * norm
    # edge weights default to ones
    w_e = jnp.ones((edge_index.shape[1],), dtype=jnp.float32)
    # message: u_mul_e('h', 'w', 'm') ; reduce: sum('m', 'h')
    m = h[src] * w_e[:, None]
    h_agg = jnp.zeros_like(h).at[dst].add(m)
    # graph_norm post-scaling
    h_agg = h_agg * norm
    # linear
    out = h_agg @ W.T + b
    return out

if __name__ == "__main__":
    import jax
    _d = setup_inputs()
    print(jax.jit(kernel)(*tuple(_d.values())))

</pallas_src>

<mosaic_0001>
#map = affine_map<(d0, d1) -> (0, 0)>
module attributes {stable_mosaic.version = 14 : i64} {
  func.func @_sc_degs(%arg0: i32, %arg1: i32, %arg2: memref<2x320000xi32, #tpu.memory_space<hbm>>, %arg3: memref<2x10240xf32, #tpu.memory_space<hbm>>, %arg4: memref<2x128xi32, #tpu.memory_space<vmem>>, %arg5: memref<128xf32, #tpu.memory_space<vmem>>, %arg6: memref<640xf32, #tpu.memory_space<vmem>>, %arg7: memref<10240xf32, #tpu.memory_space<vmem_shared>>, %arg8: memref<!tpu.dma_semaphore, #tpu.memory_space<semaphore_mem>>, %arg9: memref<!tpu.dma_semaphore, #tpu.memory_space<semaphore_mem>>) attributes {dimension_semantics = [#tpu.dimension_semantics<core_parallel>, #tpu.dimension_semantics<subcore_parallel>], iteration_bounds = array<i64: 2, 16>, scalar_prefetch = 0 : i64, scratch_operands = 6 : i64, tpu.core_type = #tpu.core_type<sc_vector_subcore>, window_params = [{transform_indices = #map}, {transform_indices = #map}]} {
    %mul3A = arith.constant 16 : i32
    %mul3A_0 = arith.muli %arg0, %mul3A : i32
    %add3A = arith.addi %mul3A_0, %arg1 : i32
    %mul3A_1 = arith.constant 640 : i32
    %mul3A_2 = arith.muli %arg1, %mul3A_1 : i32
    %lt3A = arith.constant 4 : i32
    %lt3A_3 = arith.cmpi slt, %add3A, %lt3A : i32
    %jit3A = arith.constant 1 : i32
    %jit3A_4 = arith.constant 0 : i32
    %select_n3A = arith.select %lt3A_3, %jit3A, %jit3A_4 : i32
    %add3A_5 = arith.constant 78 : i32
    %add3A_6 = arith.addi %add3A_5, %select_n3A : i32
    %mul3A_7 = arith.constant 78 : i32
    %mul3A_8 = arith.muli %mul3A_7, %add3A : i32
    %min3A = arith.constant 4 : i32
    %min3A_9 = arith.minsi %add3A, %min3A : i32
    %add3A_10 = arith.addi %mul3A_8, %min3A_9 : i32
    %scan3A = arith.constant 0 : i32
    %scan3A_11 = arith.constant 0 : i32
    %scan3A_12 = arith.constant 40 : i32
    %scan3A_13 = arith.addi %scan3A_11, %scan3A_12 : i32
    %scan3A_14 = arith.constant 1 : i32
    scf.for %scan3A_102 = %scan3A_11 to %scan3A_13 step %scan3A_14  : i32 {
      %broadcast_in_dim3A_103 = arith.constant 0.000000e+00 : f32
      %broadcast_in_dim3A_104 = vector.broadcast %broadcast_in_dim3A_103 : f32 to vector<16xf32>
      %mul3A_105 = arith.constant 16 : i32
      %mul3A_106 = arith.muli %scan3A_102, %mul3A_105 : i32
      %swap3A_107 = arith.index_cast %mul3A_106 : i32 to index
      %swap3A_108 = tpu.vector_load %arg6[%swap3A_107] {strides = array<i32>} : memref<640xf32, #tpu.memory_space<vmem>>, vector<16xf32>,
      %swap3A_109 = vector.shape_cast %swap3A_108 : vector<16xf32> to vector<16xf32>
      %swap3A_110 = vector.shape_cast %broadcast_in_dim3A_104 : vector<16xf32> to vector<16xf32>
      tpu.vector_store %arg6[%swap3A_107], %swap3A_110 {strides = array<i32>} : memref<640xf32, #tpu.memory_space<vmem>>, vector<16xf32>,
    }
    %scan3A_15 = arith.constant 40 : i32
    %broadcast_in_dim3A = arith.constant 1.000000e+00 : f32
    %broadcast_in_dim3A_16 = vector.broadcast %broadcast_in_dim3A : f32 to vector<16xf32>
    %swap3A = arith.constant 0 : index
    %swap3A_17 = tpu.vector_load %arg5[%swap3A] {strides = array<i32>} : memref<128xf32, #tpu.memory_space<vmem>>, vector<16xf32>,
    %swap3A_18 = vector.shape_cast %swap3A_17 : vector<16xf32> to vector<16xf32>
    %swap3A_19 = vector.shape_cast %broadcast_in_dim3A_16 : vector<16xf32> to vector<16xf32>
    tpu.vector_store %arg5[%swap3A], %swap3A_19 {strides = array<i32>} : memref<128xf32, #tpu.memory_space<vmem>>, vector<16xf32>,
    %broadcast_in_dim3A_20 = arith.constant 1.000000e+00 : f32
    %broadcast_in_dim3A_21 = vector.broadcast %broadcast_in_dim3A_20 : f32 to vector<16xf32>
    %swap3A_22 = arith.constant 16 : index
    %swap3A_23 = tpu.vector_load %arg5[%swap3A_22] {strides = array<i32>} : memref<128xf32, #tpu.memory_space<vmem>>, vector<16xf32>,
    %swap3A_24 = vector.shape_cast %swap3A_23 : vector<16xf32> to vector<16xf32>
    %swap3A_25 = vector.shape_cast %broadcast_in_dim3A_21 : vector<16xf32> to vector<16xf32>
    tpu.vector_store %arg5[%swap3A_22], %swap3A_25 {strides = array<i32>} : memref<128xf32, #tpu.memory_space<vmem>>, vector<16xf32>,
    %broadcast_in_dim3A_26 = arith.constant 1.000000e+00 : f32
    %broadcast_in_dim3A_27 = vector.broadcast %broadcast_in_dim3A_26 : f32 to vector<16xf32>
    %swap3A_28 = arith.constant 32 : index
    %swap3A_29 = tpu.vector_load %arg5[%swap3A_28] {strides = array<i32>} : memref<128xf32, #tpu.memory_space<vmem>>, vector<16xf32>,
    %swap3A_30 = vector.shape_cast %swap3A_29 : vector<16xf32> to vector<16xf32>
    %swap3A_31 = vector.shape_cast %broadcast_in_dim3A_27 : vector<16xf32> to vector<16xf32>
    tpu.vector_store %arg5[%swap3A_28], %swap3A_31 {strides = array<i32>} : memref<128xf32, #tpu.memory_space<vmem>>, vector<16xf32>,
    %broadcast_in_dim3A_32 = arith.constant 1.000000e+00 : f32
    %broadcast_in_dim3A_33 = vector.broadcast %broadcast_in_dim3A_32 : f32 to vector<16xf32>
    %swap3A_34 = arith.constant 48 : index
    %swap3A_35 = tpu.vector_load %arg5[%swap3A_34] {strides = array<i32>} : memref<128xf32, #tpu.memory_space<vmem>>, vector<16xf32>,
    %swap3A_36 = vector.shape_cast %swap3A_35 : vector<16xf32> to vector<16xf32>
    %swap3A_37 = vector.shape_cast %broadcast_in_dim3A_33 : vector<16xf32> to vector<16xf32>
    tpu.vector_store %arg5[%swap3A_34], %swap3A_37 {strides = array<i32>} : memref<128xf32, #tpu.memory_space<vmem>>, vector<16xf32>,
    %broadcast_in_dim3A_38 = arith.constant 1.000000e+00 : f32
    %broadcast_in_dim3A_39 = vector.broadcast %broadcast_in_dim3A_38 : f32 to vector<16xf32>
    %swap3A_40 = arith.constant 64 : index
    %swap3A_41 = tpu.vector_load %arg5[%swap3A_40] {strides = array<i32>} : memref<128xf32, #tpu.memory_space<vmem>>, vector<16xf32>,
    %swap3A_42 = vector.shape_cast %swap3A_41 : vector<16xf32> to vector<16xf32>
    %swap3A_43 = vector.shape_cast %broadcast_in_dim3A_39 : vector<16xf32> to vector<16xf32>
    tpu.vector_store %arg5[%swap3A_40], %swap3A_43 {strides = array<i32>} : memref<128xf32, #tpu.memory_space<vmem>>, vector<16xf32>,
    %broadcast_in_dim3A_44 = arith.constant 1.000000e+00 : f32
    %broadcast_in_dim3A_45 = vector.broadcast %broadcast_in_dim3A_44 : f32 to vector<16xf32>
    %swap3A_46 = arith.constant 80 : index
    %swap3A_47 = tpu.vector_load %arg5[%swap3A_46] {strides = array<i32>} : memref<128xf32, #tpu.memory_space<vmem>>, vector<16xf32>,
    %swap3A_48 = vector.shape_cast %swap3A_47 : vector<16xf32> to vector<16xf32>
    %swap3A_49 = vector.shape_cast %broadcast_in_dim3A_45 : vector<16xf32> to vector<16xf32>
    tpu.vector_store %arg5[%swap3A_46], %swap3A_49 {strides = array<i32>} : memref<128xf32, #tpu.memory_space<vmem>>, vector<16xf32>,
    %broadcast_in_dim3A_50 = arith.constant 1.000000e+00 : f32
    %broadcast_in_dim3A_51 = vector.broadcast %broadcast_in_dim3A_50 : f32 to vector<16xf32>
    %swap3A_52 = arith.constant 96 : index
    %swap3A_53 = tpu.vector_load %arg5[%swap3A_52] {strides = array<i32>} : memref<128xf32, #tpu.memory_space<vmem>>, vector<16xf32>,
    %swap3A_54 = vector.shape_cast %swap3A_53 : vector<16xf32> to vector<16xf32>
    %swap3A_55 = vector.shape_cast %broadcast_in_dim3A_51 : vector<16xf32> to vector<16xf32>
    tpu.vector_store %arg5[%swap3A_52], %swap3A_55 {strides = array<i32>} : memref<128xf32, #tpu.memory_space<vmem>>, vector<16xf32>,
    %broadcast_in_dim3A_56 = arith.constant 1.000000e+00 : f32
    %broadcast_in_dim3A_57 = vector.broadcast %broadcast_in_dim3A_56 : f32 to vector<16xf32>
    %swap3A_58 = arith.constant 112 : index
    %swap3A_59 = tpu.vector_load %arg5[%swap3A_58] {strides = array<i32>} : memref<128xf32, #tpu.memory_space<vmem>>, vector<16xf32>,
    %swap3A_60 = vector.shape_cast %swap3A_59 : vector<16xf32> to vector<16xf32>
    %swap3A_61 = vector.shape_cast %broadcast_in_dim3A_57 : vector<16xf32> to vector<16xf32>
    tpu.vector_store %arg5[%swap3A_58], %swap3A_61 {strides = array<i32>} : memref<128xf32, #tpu.memory_space<vmem>>, vector<16xf32>,
    "tpu.region"() ({
      %run_scoped3A = tpu.sem_alloc : memref<!tpu.dma_semaphore, #tpu.memory_space<semaphore_mem>>
      %dma_start3A_102 = tpu.memref_slice %arg7[%mul3A_2] : memref<10240xf32, #tpu.memory_space<vmem_shared>> -> memref<640xf32, #tpu.memory_space<vmem_shared>>
      %dma_start3A_103 = tpu.memref_slice %arg7[%mul3A_2] : memref<10240xf32, #tpu.memory_space<vmem_shared>> -> memref<640xf32, #tpu.memory_space<vmem_shared>>
      tpu.enqueue_dma source(%arg6 : memref<640xf32, #tpu.memory_space<vmem>>) target(%dma_start3A_103 : memref<640xf32, #tpu.memory_space<vmem_shared>>) target_semaphore(%run_scoped3A : memref<!tpu.dma_semaphore, #tpu.memory_space<semaphore_mem>>)
      %dma_wait3A = tpu.memref_slice %arg7[%mul3A_2] : memref<10240xf32, #tpu.memory_space<vmem_shared>> -> memref<640xf32, #tpu.memory_space<vmem_shared>>
      %dma_wait3A_104 = tpu.memref_slice %arg7[%mul3A_2] : memref<10240xf32, #tpu.memory_space<vmem_shared>> -> memref<640xf32, #tpu.memory_space<vmem_shared>>
      tpu.wait_dma2 semaphore(%run_scoped3A : memref<!tpu.dma_semaphore, #tpu.memory_space<semaphore_mem>>) src(%arg6 : memref<640xf32, #tpu.memory_space<vmem>>) dst(%dma_wait3A_104 : memref<640xf32, #tpu.memory_space<vmem_shared>>)
      tpu.yield
    }) : () -> ()
    %add3A_62 = arith.constant 0 : i32
    %add3A_63 = arith.addi %add3A_10, %add3A_62 : i32
    %mul3A_64 = arith.constant 128 : i32
    %mul3A_65 = arith.muli %add3A_63, %mul3A_64 : i32
    %dma_start3A = arith.constant 1 : i32
    %dma_start3A_66 = arith.constant 0 : i32
    %dma_start3A_67 = arith.constant 0 : i32
    %dma_start3A_68 = tpu.memref_slice %arg4[%dma_start3A_66, %dma_start3A_67] : memref<2x128xi32, #tpu.memory_space<vmem>> -> memref<1x128xi32, #tpu.memory_space<vmem>>
    %dma_start3A_69 = tpu.memref_squeeze %dma_start3A_68 : memref<1x128xi32, #tpu.memory_space<vmem>> -> memref<128xi32, #tpu.memory_space<vmem>>
    %dma_start3A_70 = tpu.memref_slice %arg2[%dma_start3A, %mul3A_65] : memref<2x320000xi32, #tpu.memory_space<hbm>> -> memref<1x128xi32, #tpu.memory_space<hbm>>
    %dma_start3A_71 = tpu.memref_squeeze %dma_start3A_70 : memref<1x128xi32, #tpu.memory_space<hbm>> -> memref<128xi32, #tpu.memory_space<hbm>>
    %dma_start3A_72 = arith.constant 0 : i32
    %dma_start3A_73 = tpu.memref_slice %arg4[%dma_start3A_66, %dma_start3A_72] : memref<2x128xi32, #tpu.memory_space<vmem>> -> memref<1x128xi32, #tpu.memory_space<vmem>>
    %dma_start3A_74 = tpu.memref_squeeze %dma_start3A_73 : memref<1x128xi32, #tpu.memory_space<vmem>> -> memref<128xi32, #tpu.memory_space<vmem>>
    %dma_start3A_75 = tpu.memref_slice %arg2[%dma_start3A, %mul3A_65] : memref<2x320000xi32, #tpu.memory_space<hbm>> -> memref<1x128xi32, #tpu.memory_space<hbm>>
    %dma_start3A_76 = tpu.memref_squeeze %dma_start3A_75 : memref<1x128xi32, #tpu.memory_space<hbm>> -> memref<128xi32, #tpu.memory_space<hbm>>
    tpu.enqueue_dma source(%dma_start3A_76 : memref<128xi32, #tpu.memory_space<hbm>>) target(%dma_start3A_74 : memref<128xi32, #tpu.memory_space<vmem>>) target_semaphore(%arg8 : memref<!tpu.dma_semaphore, #tpu.memory_space<semaphore_mem>>)
    %add3A_77 = arith.constant 1 : i32
    %add3A_78 = arith.addi %add3A_10, %add3A_77 : i32
    %mul3A_79 = arith.constant 128 : i32
    %mul3A_80 = arith.muli %add3A_78, %mul3A_79 : i32
    %dma_start3A_81 = arith.constant 1 : i32
    %dma_start3A_82 = arith.constant 1 : i32
    %dma_start3A_83 = arith.constant 0 : i32
    %dma_start3A_84 = tpu.memref_slice %arg4[%dma_start3A_82, %dma_start3A_83] : memref<2x128xi32, #tpu.memory_space<vmem>> -> memref<1x128xi32, #tpu.memory_space<vmem>>
    %dma_start3A_85 = tpu.memref_squeeze %dma_start3A_84 : memref<1x128xi32, #tpu.memory_space<vmem>> -> memref<128xi32, #tpu.memory_space<vmem>>
    %dma_start3A_86 = tpu.memref_slice %arg2[%dma_start3A_81, %mul3A_80] : memref<2x320000xi32, #tpu.memory_space<hbm>> -> memref<1x128xi32, #tpu.memory_space<hbm>>
    %dma_start3A_87 = tpu.memref_squeeze %dma_start3A_86 : memref<1x128xi32, #tpu.memory_space<hbm>> -> memref<128xi32, #tpu.memory_space<hbm>>
    %dma_start3A_88 = arith.constant 0 : i32
    %dma_start3A_89 = tpu.memref_slice %arg4[%dma_start3A_82, %dma_start3A_88] : memref<2x128xi32, #tpu.memory_space<vmem>> -> memref<1x128xi32, #tpu.memory_space<vmem>>
    %dma_start3A_90 = tpu.memref_squeeze %dma_start3A_89 : memref<1x128xi32, #tpu.memory_space<vmem>> -> memref<128xi32, #tpu.memory_space<vmem>>
    %dma_start3A_91 = tpu.memref_slice %arg2[%dma_start3A_81, %mul3A_80] : memref<2x320000xi32, #tpu.memory_space<hbm>> -> memref<1x128xi32, #tpu.memory_space<hbm>>
    %dma_start3A_92 = tpu.memref_squeeze %dma_start3A_91 : memref<1x128xi32, #tpu.memory_space<hbm>> -> memref<128xi32, #tpu.memory_space<hbm>>
    tpu.enqueue_dma source(%dma_start3A_92 : memref<128xi32, #tpu.memory_space<hbm>>) target(%dma_start3A_90 : memref<128xi32, #tpu.memory_space<vmem>>) target_semaphore(%arg9 : memref<!tpu.dma_semaphore, #tpu.memory_space<semaphore_mem>>)
    %barrier3A = arith.constant 0 : index
    tpu.barrier barrier_id(%barrier3A)
    %scan3A_93 = arith.constant 0 : i32
    %scan3A_94 = arith.constant 0 : i32
    %scan3A_95 = arith.constant 39 : i32
    %scan3A_96 = arith.addi %scan3A_94, %scan3A_95 : i32
    %scan3A_97 = arith.constant 1 : i32
    scf.for %scan3A_102 = %scan3A_94 to %scan3A_96 step %scan3A_97  : i32 {
      %mul3A_103 = arith.constant 2 : i32
      %mul3A_104 = arith.muli %mul3A_103, %scan3A_102 : i32
      %add3A_105 = arith.constant 1 : i32
      %add3A_106 = arith.addi %mul3A_104, %add3A_105 : i32
      %dma_wait3A = arith.constant 1 : i32
      %dma_wait3A_107 = arith.constant 0 : i32
      %dma_wait3A_108 = arith.constant 0 : i32
      %dma_wait3A_109 = tpu.memref_slice %arg4[%dma_wait3A_107, %dma_wait3A_108] : memref<2x128xi32, #tpu.memory_space<vmem>> -> memref<1x128xi32, #tpu.memory_space<vmem>>
      %dma_wait3A_110 = tpu.memref_squeeze %dma_wait3A_109 : memref<1x128xi32, #tpu.memory_space<vmem>> -> memref<128xi32, #tpu.memory_space<vmem>>
      %dma_wait3A_111 = arith.constant 0 : i32
      %dma_wait3A_112 = tpu.memref_slice %arg2[%dma_wait3A, %dma_wait3A_111] : memref<2x320000xi32, #tpu.memory_space<hbm>> -> memref<1x128xi32, #tpu.memory_space<hbm>>
      %dma_wait3A_113 = tpu.memref_squeeze %dma_wait3A_112 : memref<1x128xi32, #tpu.memory_space<hbm>> -> memref<128xi32, #tpu.memory_space<hbm>>
      %dma_wait3A_114 = arith.constant 0 : i32
      %dma_wait3A_115 = tpu.memref_slice %arg4[%dma_wait3A_107, %dma_wait3A_114] : memref<2x128xi32, #tpu.memory_space<vmem>> -> memref<1x128xi32, #tpu.memory_space<vmem>>
      %dma_wait3A_116 = tpu.memref_squeeze %dma_wait3A_115 : memref<1x128xi32, #tpu.memory_space<vmem>> -> memref<128xi32, #tpu.memory_space<vmem>>
      %dma_wait3A_117 = arith.constant 0 : i32
      %dma_wait3A_118 = tpu.memref_slice %arg2[%dma_wait3A, %dma_wait3A_117] : memref<2x320000xi32, #tpu.memory_space<hbm>> -> memref<1x128xi32, #tpu.memory_space<hbm>>
      %dma_wait3A_119 = tpu.memref_squeeze %dma_wait3A_118 : memref<1x128xi32, #tpu.memory_space<hbm>> -> memref<128xi32, #tpu.memory_space<hbm>>
      tpu.wait_dma2 semaphore(%arg8 : memref<!tpu.dma_semaphore, #tpu.memory_space<semaphore_mem>>) src(%dma_wait3A_119 : memref<128xi32, #tpu.memory_space<hbm>>) dst(%dma_wait3A_116 : memref<128xi32, #tpu.memory_space<vmem>>)
      %run_scoped3A = arith.constant 0 : i32
      "tpu.region"() ({
        %run_scoped3A_147 = tpu.sem_alloc : memref<!tpu.dma_semaphore, #tpu.memory_space<semaphore_mem>>
        %dma_start3A_148 = arith.constant 0 : i32
        %dma_start3A_149 = tpu.memref_slice %arg4[%run_scoped3A, %dma_start3A_148] : memref<2x128xi32, #tpu.memory_space<vmem>> -> memref<1x128xi32, #tpu.memory_space<vmem>>
        %dma_start3A_150 = tpu.memref_squeeze %dma_start3A_149 : memref<1x128xi32, #tpu.memory_space<vmem>> -> memref<128xi32, #tpu.memory_space<vmem>>
        %dma_start3A_151 = arith.constant 0 : i32
        %dma_start3A_152 = tpu.memref_slice %arg7[%dma_start3A_151] : memref<10240xf32, #tpu.memory_space<vmem_shared>> -> memref<10240xf32, #tpu.memory_space<vmem_shared>>
        tpu.enqueue_indirect_dma source(%arg5 : memref<128xf32, #tpu.memory_space<vmem>>) target(%dma_start3A_152 : memref<10240xf32, #tpu.memory_space<vmem_shared>>) offsets(%dma_start3A_150 : memref<128xi32, #tpu.memory_space<vmem>>) semaphore(%run_scoped3A_147 : memref<!tpu.dma_semaphore, #tpu.memory_space<semaphore_mem>>) {add = true}
        %dma_wait3A_153 = arith.constant 0 : i32
        %dma_wait3A_154 = tpu.memref_slice %arg4[%run_scoped3A, %dma_wait3A_153] : memref<2x128xi32, #tpu.memory_space<vmem>> -> memref<1x128xi32, #tpu.memory_space<vmem>>
        %dma_wait3A_155 = tpu.memref_squeeze %dma_wait3A_154 : memref<1x128xi32, #tpu.memory_space<vmem>> -> memref<128xi32, #tpu.memory_space<vmem>>
        %dma_wait3A_156 = arith.constant 0 : i32
        %dma_wait3A_157 = tpu.memref_slice %arg7[%dma_wait3A_156] : memref<10240xf32, #tpu.memory_space<vmem_shared>> -> memref<10240xf32, #tpu.memory_space<vmem_shared>>
        tpu.wait_indirect_dma semaphore(%run_scoped3A_147 : memref<!tpu.dma_semaphore, #tpu.memory_space<semaphore_mem>>) src(%arg5 : memref<128xf32, #tpu.memory_space<vmem>>) dst(%dma_wait3A_157 : memref<10240xf32, #tpu.memory_space<vmem_shared>>)
        tpu.yield
      }) : () -> ()
      %add3A_120 = arith.constant 2 : i32
      %add3A_121 = arith.addi %mul3A_104, %add3A_120 : i32
      %lt3A_122 = arith.cmpi slt, %add3A_121, %add3A_6 : i32
      %convert_element_type3A_123 = arith.extui %lt3A_122 : i1 to i32
      %cond3A_124 = arith.constant 0 : i32
      %cond3A_125 = arith.cmpi ne, %convert_element_type3A_123, %cond3A_124 : i32
      scf.if %cond3A_125 {
        %add3A_147 = arith.constant 2 : i32
        %add3A_148 = arith.addi %mul3A_104, %add3A_147 : i32
        %add3A_149 = arith.addi %add3A_10, %add3A_148 : i32
        %mul3A_150 = arith.constant 128 : i32
        %mul3A_151 = arith.muli %add3A_149, %mul3A_150 : i32
        %dma_start3A_152 = arith.constant 1 : i32
        %dma_start3A_153 = arith.constant 0 : i32
        %dma_start3A_154 = arith.constant 0 : i32
        %dma_start3A_155 = tpu.memref_slice %arg4[%dma_start3A_153, %dma_start3A_154] : memref<2x128xi32, #tpu.memory_space<vmem>> -> memref<1x128xi32, #tpu.memory_space<vmem>>
        %dma_start3A_156 = tpu.memref_squeeze %dma_start3A_155 : memref<1x128xi32, #tpu.memory_space<vmem>> -> memref<128xi32, #tpu.memory_space<vmem>>
        %dma_start3A_157 = tpu.memref_slice %arg2[%dma_start3A_152, %mul3A_151] : memref<2x320000xi32, #tpu.memory_space<hbm>> -> memref<1x128xi32, #tpu.memory_space<hbm>>
        %dma_start3A_158 = tpu.memref_squeeze %dma_start3A_157 : memref<1x128xi32, #tpu.memory_space<hbm>> -> memref<128xi32, #tpu.memory_space<hbm>>
        %dma_start3A_159 = arith.constant 0 : i32
        %dma_start3A_160 = tpu.memref_slice %arg4[%dma_start3A_153, %dma_start3A_159] : memref<2x128xi32, #tpu.memory_space<vmem>> -> memref<1x128xi32, #tpu.memory_space<vmem>>
        %dma_start3A_161 = tpu.memref_squeeze %dma_start3A_160 : memref<1x128xi32, #tpu.memory_space<vmem>> -> memref<128xi32, #tpu.memory_space<vmem>>
        %dma_start3A_162 = tpu.memref_slice %arg2[%dma_start3A_152, %mul3A_151] : memref<2x320000xi32, #tpu.memory_space<hbm>> -> memref<1x128xi32, #tpu.memory_space<hbm>>
        %dma_start3A_163 = tpu.memref_squeeze %dma_start3A_162 : memref<1x128xi32, #tpu.memory_space<hbm>> -> memref<128xi32, #tpu.memory_space<hbm>>
        tpu.enqueue_dma source(%dma_start3A_163 : memref<128xi32, #tpu.memory_space<hbm>>) target(%dma_start3A_161 : memref<128xi32, #tpu.memory_space<vmem>>) target_semaphore(%arg8 : memref<!tpu.dma_semaphore, #tpu.memory_space<semaphore_mem>>)
      } else {
      }
      %dma_wait3A_126 = arith.constant 1 : i32
      %dma_wait3A_127 = arith.constant 0 : i32
      %dma_wait3A_128 = arith.constant 0 : i32
      %dma_wait3A_129 = tpu.memref_slice %arg4[%dma_wait3A_127, %dma_wait3A_128] : memref<2x128xi32, #tpu.memory_space<vmem>> -> memref<1x128xi32, #tpu.memory_space<vmem>>
      %dma_wait3A_130 = tpu.memref_squeeze %dma_wait3A_129 : memref<1x128xi32, #tpu.memory_space<vmem>> -> memref<128xi32, #tpu.memory_space<vmem>>
      %dma_wait3A_131 = arith.constant 0 : i32
      %dma_wait3A_132 = tpu.memref_slice %arg2[%dma_wait3A_126, %dma_wait3A_131] : memref<2x320000xi32, #tpu.memory_space<hbm>> -> memref<1x128xi32, #tpu.memory_space<hbm>>
      %dma_wait3A_133 = tpu.memref_squeeze %dma_wait3A_132 : memref<1x128xi32, #tpu.memory_space<hbm>> -> memref<128xi32, #tpu.memory_space<hbm>>
      %dma_wait3A_134 = arith.constant 0 : i32
      %dma_wait3A_135 = tpu.memref_slice %arg4[%dma_wait3A_127, %dma_wait3A_134] : memref<2x128xi32, #tpu.memory_space<vmem>> -> memref<1x128xi32, #tpu.memory_space<vmem>>
      %dma_wait3A_136 = tpu.memref_squeeze %dma_wait3A_135 : memref<1x128xi32, #tpu.memory_space<vmem>> -> memref<128xi32, #tpu.memory_space<vmem>>
      %dma_wait3A_137 = arith.constant 0 : i32
      %dma_wait3A_138 = tpu.memref_slice %arg2[%dma_wait3A_126, %dma_wait3A_137] : memref<2x320000xi32, #tpu.memory_space<hbm>> -> memref<1x128xi32, #tpu.memory_space<hbm>>
      %dma_wait3A_139 = tpu.memref_squeeze %dma_wait3A_138 : memref<1x128xi32, #tpu.memory_space<hbm>> -> memref<128xi32, #tpu.memory_space<hbm>>
      tpu.wait_dma2 semaphore(%arg9 : memref<!tpu.dma_semaphore, #tpu.memory_space<semaphore_mem>>) src(%dma_wait3A_139 : memref<128xi32, #tpu.memory_space<hbm>>) dst(%dma_wait3A_136 : memref<128xi32, #tpu.memory_space<vmem>>)
      %run_scoped3A_140 = arith.constant 1 : i32
      "tpu.region"() ({
        %run_scoped3A_147 = tpu.sem_alloc : memref<!tpu.dma_semaphore, #tpu.memory_space<semaphore_mem>>
        %dma_start3A_148 = arith.constant 0 : i32
        %dma_start3A_149 = tpu.memref_slice %arg4[%run_scoped3A_140, %dma_start3A_148] : memref<2x128xi32, #tpu.memory_space<vmem>> -> memref<1x128xi32, #tpu.memory_space<vmem>>
        %dma_start3A_150 = tpu.memref_squeeze %dma_start3A_149 : memref<1x128xi32, #tpu.memory_space<vmem>> -> memref<128xi32, #tpu.memory_space<vmem>>
        %dma_start3A_151 = arith.constant 0 : i32
        %dma_start3A_152 = tpu.memref_slice %arg7[%dma_start3A_151] : memref<10240xf32, #tpu.memory_space<vmem_shared>> -> memref<10240xf32, #tpu.memory_space<vmem_shared>>
        tpu.enqueue_indirect_dma source(%arg5 : memref<128xf32, #tpu.memory_space<vmem>>) target(%dma_start3A_152 : memref<10240xf32, #tpu.memory_space<vmem_shared>>) offsets(%dma_start3A_150 : memref<128xi32, #tpu.memory_space<vmem>>) semaphore(%run_scoped3A_147 : memref<!tpu.dma_semaphore, #tpu.memory_space<semaphore_mem>>) {add = true}
        %dma_wait3A_153 = arith.constant 0 : i32
        %dma_wait3A_154 = tpu.memref_slice %arg4[%run_scoped3A_140, %dma_wait3A_153] : memref<2x128xi32, #tpu.memory_space<vmem>> -> memref<1x128xi32, #tpu.memory_space<vmem>>
        %dma_wait3A_155 = tpu.memref_squeeze %dma_wait3A_154 : memref<1x128xi32, #tpu.memory_space<vmem>> -> memref<128xi32, #tpu.memory_space<vmem>>
        %dma_wait3A_156 = arith.constant 0 : i32
        %dma_wait3A_157 = tpu.memref_slice %arg7[%dma_wait3A_156] : memref<10240xf32, #tpu.memory_space<vmem_shared>> -> memref<10240xf32, #tpu.memory_space<vmem_shared>>
        tpu.wait_indirect_dma semaphore(%run_scoped3A_147 : memref<!tpu.dma_semaphore, #tpu.memory_space<semaphore_mem>>) src(%arg5 : memref<128xf32, #tpu.memory_space<vmem>>) dst(%dma_wait3A_157 : memref<10240xf32, #tpu.memory_space<vmem_shared>>)
        tpu.yield
      }) : () -> ()
      %add3A_141 = arith.constant 2 : i32
      %add3A_142 = arith.addi %add3A_106, %add3A_141 : i32
      %lt3A_143 = arith.cmpi slt, %add3A_142, %add3A_6 : i32
      %convert_element_type3A_144 = arith.extui %lt3A_143 : i1 to i32
      %cond3A_145 = arith.constant 0 : i32
      %cond3A_146 = arith.cmpi ne, %convert_element_type3A_144, %cond3A_145 : i32
      scf.if %cond3A_146 {
        %add3A_147 = arith.constant 2 : i32
        %add3A_148 = arith.addi %add3A_106, %add3A_147 : i32
        %add3A_149 = arith.addi %add3A_10, %add3A_148 : i32
        %mul3A_150 = arith.constant 128 : i32
        %mul3A_151 = arith.muli %add3A_149, %mul3A_150 : i32
        %dma_start3A_152 = arith.constant 1 : i32
        %dma_start3A_153 = arith.constant 1 : i32
        %dma_start3A_154 = arith.constant 0 : i32
        %dma_start3A_155 = tpu.memref_slice %arg4[%dma_start3A_153, %dma_start3A_154] : memref<2x128xi32, #tpu.memory_space<vmem>> -> memref<1x128xi32, #tpu.memory_space<vmem>>
        %dma_start3A_156 = tpu.memref_squeeze %dma_start3A_155 : memref<1x128xi32, #tpu.memory_space<vmem>> -> memref<128xi32, #tpu.memory_space<vmem>>
        %dma_start3A_157 = tpu.memref_slice %arg2[%dma_start3A_152, %mul3A_151] : memref<2x320000xi32, #tpu.memory_space<hbm>> -> memref<1x128xi32, #tpu.memory_space<hbm>>
        %dma_start3A_158 = tpu.memref_squeeze %dma_start3A_157 : memref<1x128xi32, #tpu.memory_space<hbm>> -> memref<128xi32, #tpu.memory_space<hbm>>
        %dma_start3A_159 = arith.constant 0 : i32
        %dma_start3A_160 = tpu.memref_slice %arg4[%dma_start3A_153, %dma_start3A_159] : memref<2x128xi32, #tpu.memory_space<vmem>> -> memref<1x128xi32, #tpu.memory_space<vmem>>
        %dma_start3A_161 = tpu.memref_squeeze %dma_start3A_160 : memref<1x128xi32, #tpu.memory_space<vmem>> -> memref<128xi32, #tpu.memory_space<vmem>>
        %dma_start3A_162 = tpu.memref_slice %arg2[%dma_start3A_152, %mul3A_151] : memref<2x320000xi32, #tpu.memory_space<hbm>> -> memref<1x128xi32, #tpu.memory_space<hbm>>
        %dma_start3A_163 = tpu.memref_squeeze %dma_start3A_162 : memref<1x128xi32, #tpu.memory_space<hbm>> -> memref<128xi32, #tpu.memory_space<hbm>>
        tpu.enqueue_dma source(%dma_start3A_163 : memref<128xi32, #tpu.memory_space<hbm>>) target(%dma_start3A_161 : memref<128xi32, #tpu.memory_space<vmem>>) target_semaphore(%arg9 : memref<!tpu.dma_semaphore, #tpu.memory_space<semaphore_mem>>)
      } else {
      }
    }
    %scan3A_98 = arith.constant 39 : i32
    %gt3A = arith.constant 78 : i32
    %gt3A_99 = arith.cmpi sgt, %add3A_6, %gt3A : i32
    %convert_element_type3A = arith.extui %gt3A_99 : i1 to i32
    %cond3A = arith.constant 0 : i32
    %cond3A_100 = arith.cmpi ne, %convert_element_type3A, %cond3A : i32
    scf.if %cond3A_100 {
      %dma_wait3A = arith.constant 1 : i32
      %dma_wait3A_102 = arith.constant 0 : i32
      %dma_wait3A_103 = arith.constant 0 : i32
      %dma_wait3A_104 = tpu.memref_slice %arg4[%dma_wait3A_102, %dma_wait3A_103] : memref<2x128xi32, #tpu.memory_space<vmem>> -> memref<1x128xi32, #tpu.memory_space<vmem>>
      %dma_wait3A_105 = tpu.memref_squeeze %dma_wait3A_104 : memref<1x128xi32, #tpu.memory_space<vmem>> -> memref<128xi32, #tpu.memory_space<vmem>>
      %dma_wait3A_106 = arith.constant 0 : i32
      %dma_wait3A_107 = tpu.memref_slice %arg2[%dma_wait3A, %dma_wait3A_106] : memref<2x320000xi32, #tpu.memory_space<hbm>> -> memref<1x128xi32, #tpu.memory_space<hbm>>
      %dma_wait3A_108 = tpu.memref_squeeze %dma_wait3A_107 : memref<1x128xi32, #tpu.memory_space<hbm>> -> memref<128xi32, #tpu.memory_space<hbm>>
      %dma_wait3A_109 = arith.constant 0 : i32
      %dma_wait3A_110 = tpu.memref_slice %arg4[%dma_wait3A_102, %dma_wait3A_109] : memref<2x128xi32, #tpu.memory_space<vmem>> -> memref<1x128xi32, #tpu.memory_space<vmem>>
      %dma_wait3A_111 = tpu.memref_squeeze %dma_wait3A_110 : memref<1x128xi32, #tpu.memory_space<vmem>> -> memref<128xi32, #tpu.memory_space<vmem>>
      %dma_wait3A_112 = arith.constant 0 : i32
      %dma_wait3A_113 = tpu.memref_slice %arg2[%dma_wait3A, %dma_wait3A_112] : memref<2x320000xi32, #tpu.memory_space<hbm>> -> memref<1x128xi32, #tpu.memory_space<hbm>>
      %dma_wait3A_114 = tpu.memref_squeeze %dma_wait3A_113 : memref<1x128xi32, #tpu.memory_space<hbm>> -> memref<128xi32, #tpu.memory_space<hbm>>
      tpu.wait_dma2 semaphore(%arg8 : memref<!tpu.dma_semaphore, #tpu.memory_space<semaphore_mem>>) src(%dma_wait3A_114 : memref<128xi32, #tpu.memory_space<hbm>>) dst(%dma_wait3A_111 : memref<128xi32, #tpu.memory_space<vmem>>)
      %run_scoped3A = arith.constant 0 : i32
      "tpu.region"() ({
        %run_scoped3A_115 = tpu.sem_alloc : memref<!tpu.dma_semaphore, #tpu.memory_space<semaphore_mem>>
        %dma_start3A_116 = arith.constant 0 : i32
        %dma_start3A_117 = tpu.memref_slice %arg4[%run_scoped3A, %dma_start3A_116] : memref<2x128xi32, #tpu.memory_space<vmem>> -> memref<1x128xi32, #tpu.memory_space<vmem>>
        %dma_start3A_118 = tpu.memref_squeeze %dma_start3A_117 : memref<1x128xi32, #tpu.memory_space<vmem>> -> memref<128xi32, #tpu.memory_space<vmem>>
        %dma_start3A_119 = arith.constant 0 : i32
        %dma_start3A_120 = tpu.memref_slice %arg7[%dma_start3A_119] : memref<10240xf32, #tpu.memory_space<vmem_shared>> -> memref<10240xf32, #tpu.memory_space<vmem_shared>>
        tpu.enqueue_indirect_dma source(%arg5 : memref<128xf32, #tpu.memory_space<vmem>>) target(%dma_start3A_120 : memref<10240xf32, #tpu.memory_space<vmem_shared>>) offsets(%dma_start3A_118 : memref<128xi32, #tpu.memory_space<vmem>>) semaphore(%run_scoped3A_115 : memref<!tpu.dma_semaphore, #tpu.memory_space<semaphore_mem>>) {add = true}
        %dma_wait3A_121 = arith.constant 0 : i32
        %dma_wait3A_122 = tpu.memref_slice %arg4[%run_scoped3A, %dma_wait3A_121] : memref<2x128xi32, #tpu.memory_space<vmem>> -> memref<1x128xi32, #tpu.memory_space<vmem>>
        %dma_wait3A_123 = tpu.memref_squeeze %dma_wait3A_122 : memref<1x128xi32, #tpu.memory_space<vmem>> -> memref<128xi32, #tpu.memory_space<vmem>>
        %dma_wait3A_124 = arith.constant 0 : i32
        %dma_wait3A_125 = tpu.memref_slice %arg7[%dma_wait3A_124] : memref<10240xf32, #tpu.memory_space<vmem_shared>> -> memref<10240xf32, #tpu.memory_space<vmem_shared>>
        tpu.wait_indirect_dma semaphore(%run_scoped3A_115 : memref<!tpu.dma_semaphore, #tpu.memory_space<semaphore_mem>>) src(%arg5 : memref<128xf32, #tpu.memory_space<vmem>>) dst(%dma_wait3A_125 : memref<10240xf32, #tpu.memory_space<vmem_shared>>)
        tpu.yield
      }) : () -> ()
    } else {
    }
    %barrier3A_101 = arith.constant 0 : index
    tpu.barrier barrier_id(%barrier3A_101)
    "tpu.region"() ({
      %run_scoped3A = tpu.sem_alloc : memref<!tpu.dma_semaphore, #tpu.memory_space<semaphore_mem>>
      %dma_start3A_102 = tpu.memref_slice %arg3[%arg0, %mul3A_2] : memref<2x10240xf32, #tpu.memory_space<hbm>> -> memref<1x640xf32, #tpu.memory_space<hbm>>
      %dma_start3A_103 = tpu.memref_squeeze %dma_start3A_102 : memref<1x640xf32, #tpu.memory_space<hbm>> -> memref<640xf32, #tpu.memory_space<hbm>>
      %dma_start3A_104 = tpu.memref_slice %arg7[%mul3A_2] : memref<10240xf32, #tpu.memory_space<vmem_shared>> -> memref<640xf32, #tpu.memory_space<vmem_shared>>
      tpu.enqueue_dma source(%dma_start3A_104 : memref<640xf32, #tpu.memory_space<vmem_shared>>) target(%dma_start3A_103 : memref<640xf32, #tpu.memory_space<hbm>>) target_semaphore(%run_scoped3A : memref<!tpu.dma_semaphore, #tpu.memory_space<semaphore_mem>>)
      %dma_wait3A = tpu.memref_slice %arg3[%arg0, %mul3A_2] : memref<2x10240xf32, #tpu.memory_space<hbm>> -> memref<1x640xf32, #tpu.memory_space<hbm>>
      %dma_wait3A_105 = tpu.memref_squeeze %dma_wait3A : memref<1x640xf32, #tpu.memory_space<hbm>> -> memref<640xf32, #tpu.memory_space<hbm>>
      %dma_wait3A_106 = tpu.memref_slice %arg7[%mul3A_2] : memref<10240xf32, #tpu.memory_space<vmem_shared>> -> memref<640xf32, #tpu.memory_space<vmem_shared>>
      tpu.wait_dma2 semaphore(%run_scoped3A : memref<!tpu.dma_semaphore, #tpu.memory_space<semaphore_mem>>) src(%dma_wait3A_106 : memref<640xf32, #tpu.memory_space<vmem_shared>>) dst(%dma_wait3A_105 : memref<640xf32, #tpu.memory_space<hbm>>)
      tpu.yield
    }) : () -> ()
    return
  }
}

#map = affine_map<(d0, d1) -> (0, 0)>
module attributes {stable_mosaic.version = 14 : i64} {
  func.func @_sc_agg(%arg0: i32, %arg1: i32, %arg2: memref<10240x128xf32, #tpu.memory_space<hbm>>, %arg3: memref<2x320000xi32, #tpu.memory_space<hbm>>, %arg4: memref<10240x128xf32, #tpu.memory_space<hbm>>, %arg5: memref<4x128xi32, #tpu.memory_space<vmem>>, %arg6: memref<4x128xi32, #tpu.memory_space<vmem>>, %arg7: memref<128x64xf32, #tpu.memory_space<vmem>>, %arg8: memref<128x64xf32, #tpu.memory_space<vmem>>, %arg9: memref<128x64xf32, #tpu.memory_space<vmem>>, %arg10: memref<128x64xf32, #tpu.memory_space<vmem>>, %arg11: memref<10240x64xf32, #tpu.memory_space<vmem_shared>>, %arg12: memref<10240x64xf32, #tpu.memory_space<vmem_shared>>, %arg13: memref<!tpu.dma_semaphore, #tpu.memory_space<semaphore_mem>>, %arg14: memref<!tpu.dma_semaphore, #tpu.memory_space<semaphore_mem>>, %arg15: memref<!tpu.dma_semaphore, #tpu.memory_space<semaphore_mem>>, %arg16: memref<!tpu.dma_semaphore, #tpu.memory_space<semaphore_mem>>, %arg17: memref<!tpu.dma_semaphore, #tpu.memory_space<semaphore_mem>>, %arg18: memref<!tpu.dma_semaphore, #tpu.memory_space<semaphore_mem>>, %arg19: memref<!tpu.dma_semaphore, #tpu.memory_space<semaphore_mem>>, %arg20: memref<!tpu.dma_semaphore, #tpu.memory_space<semaphore_mem>>, %arg21: memref<!tpu.dma_semaphore, #tpu.memory_space<semaphore_mem>>, %arg22: memref<!tpu.dma_semaphore, #tpu.memory_space<semaphore_mem>>) attributes {dimension_semantics = [#tpu.dimension_semantics<core_parallel>, #tpu.dimension_semantics<subcore_parallel>], iteration_bounds = array<i64: 2, 16>, scalar_prefetch = 0 : i64, scratch_operands = 18 : i64, tpu.core_type = #tpu.core_type<sc_vector_subcore>, window_params = [{transform_indices = #map}, {transform_indices = #map}, {transform_indices = #map}]} {
    %mul3A = arith.constant 640 : i32
    %mul3A_0 = arith.muli %arg1, %mul3A : i32
    %lt3A = arith.constant 4 : i32
    %lt3A_1 = arith.cmpi slt, %arg1, %lt3A : i32
    %jit3A = arith.constant 1 : i32
    %jit3A_2 = arith.constant 0 : i32
    %select_n3A = arith.select %lt3A_1, %jit3A, %jit3A_2 : i32
    %add3A = arith.constant 156 : i32
    %add3A_3 = arith.addi %add3A, %select_n3A : i32
    %mul3A_4 = arith.constant 156 : i32
    %mul3A_5 = arith.muli %mul3A_4, %arg1 : i32
    %min3A = arith.constant 4 : i32
    %min3A_6 = arith.minsi %arg1, %min3A : i32
    %add3A_7 = arith.addi %mul3A_5, %min3A_6 : i32
    %scan3A = arith.constant 0 : i32
    %scan3A_8 = arith.constant 0 : i32
    %scan3A_9 = arith.constant 128 : i32
    %scan3A_10 = arith.addi %scan3A_8, %scan3A_9 : i32
    %scan3A_11 = arith.constant 1 : i32
    scf.for %scan3A_147 = %scan3A_8 to %scan3A_10 step %scan3A_11  : i32 {
      %broadcast_in_dim3A = arith.constant 0.000000e+00 : f32
      %broadcast_in_dim3A_148 = vector.broadcast %broadcast_in_dim3A : f32 to vector<16xf32>
      %swap3A = arith.index_cast %scan3A_147 : i32 to index
      %swap3A_149 = arith.constant 0 : index
      %swap3A_150 = tpu.vector_load %arg7[%swap3A, %swap3A_149] {strides = array<i32>} : memref<128x64xf32, #tpu.memory_space<vmem>>, vector<1x16xf32>,
      %swap3A_151 = vector.shape_cast %swap3A_150 : vector<1x16xf32> to vector<16xf32>
      %swap3A_152 = vector.shape_cast %broadcast_in_dim3A_148 : vector<16xf32> to vector<1x16xf32>
      tpu.vector_store %arg7[%swap3A, %swap3A_149], %swap3A_152 {strides = array<i32>} : memref<128x64xf32, #tpu.memory_space<vmem>>, vector<1x16xf32>,
      %broadcast_in_dim3A_153 = arith.constant 0.000000e+00 : f32
      %broadcast_in_dim3A_154 = vector.broadcast %broadcast_in_dim3A_153 : f32 to vector<16xf32>
      %swap3A_155 = arith.index_cast %scan3A_147 : i32 to index
      %swap3A_156 = arith.constant 16 : index
      %swap3A_157 = tpu.vector_load %arg7[%swap3A_155, %swap3A_156] {strides = array<i32>} : memref<128x64xf32, #tpu.memory_space<vmem>>, vector<1x16xf32>,
      %swap3A_158 = vector.shape_cast %swap3A_157 : vector<1x16xf32> to vector<16xf32>
      %swap3A_159 = vector.shape_cast %broadcast_in_dim3A_154 : vector<16xf32> to vector<1x16xf32>
      tpu.vector_store %arg7[%swap3A_155, %swap3A_156], %swap3A_159 {strides = array<i32>} : memref<128x64xf32, #tpu.memory_space<vmem>>, vector<1x16xf32>,
      %broadcast_in_dim3A_160 = arith.constant 0.000000e+00 : f32
      %broadcast_in_dim3A_161 = vector.broadcast %broadcast_in_dim3A_160 : f32 to vector<16xf32>
      %swap3A_162 = arith.index_cast %scan3A_147 : i32 to index
      %swap3A_163 = arith.constant 32 : index
      %swap3A_164 = tpu.vector_load %arg7[%swap3A_162, %swap3A_163] {strides = array<i32>} : memref<128x64xf32, #tpu.memory_space<vmem>>, vector<1x16xf32>,
      %swap3A_165 = vector.shape_cast %swap3A_164 : vector<1x16xf32> to vector<16xf32>
      %swap3A_166 = vector.shape_cast %broadcast_in_dim3A_161 : vector<16xf32> to vector<1x16xf32>
      tpu.vector_store %arg7[%swap3A_162, %swap3A_163], %swap3A_166 {strides = array<i32>} : memref<128x64xf32, #tpu.memory_space<vmem>>, vector<1x16xf32>,
      %broadcast_in_dim3A_167 = arith.constant 0.000000e+00 : f32
      %broadcast_in_dim3A_168 = vector.broadcast %broadcast_in_dim3A_167 : f32 to vector<16xf32>
      %swap3A_169 = arith.index_cast %scan3A_147 : i32 to index
      %swap3A_170 = arith.constant 48 : index
      %swap3A_171 = tpu.vector_load %arg7[%swap3A_169, %swap3A_170] {strides = array<i32>} : memref<128x64xf32, #tpu.memory_space<vmem>>, vector<1x16xf32>,
      %swap3A_172 = vector.shape_cast %swap3A_171 : vector<1x16xf32> to vector<16xf32>
      %swap3A_173 = vector.shape_cast %broadcast_in_dim3A_168 : vector<16xf32> to vector<1x16xf32>
      tpu.vector_store %arg7[%swap3A_169, %swap3A_170], %swap3A_173 {strides = array<i32>} : memref<128x64xf32, #tpu.memory_space<vmem>>, vector<1x16xf32>,
    }
    %scan3A_12 = arith.constant 128 : i32
    %add3A_13 = arith.constant 0 : i32
    %add3A_14 = arith.addi %mul3A_0, %add3A_13 : i32
    "tpu.region"() ({
      %run_scoped3A = tpu.sem_alloc : memref<!tpu.dma_semaphore, #tpu.memory_space<semaphore_mem>>
      %dma_start3A_147 = arith.constant 0 : i32
      %dma_start3A_148 = tpu.memref_slice %arg12[%add3A_14, %dma_start3A_147] : memref<10240x64xf32, #tpu.memory_space<vmem_shared>> -> memref<128x64xf32, #tpu.memory_space<vmem_shared>>
      %dma_start3A_149 = arith.constant 0 : i32
      %dma_start3A_150 = tpu.memref_slice %arg12[%add3A_14, %dma_start3A_149] : memref<10240x64xf32, #tpu.memory_space<vmem_shared>> -> memref<128x64xf32, #tpu.memory_space<vmem_shared>>
      tpu.enqueue_dma source(%arg7 : memref<128x64xf32, #tpu.memory_space<vmem>>) target(%dma_start3A_150 : memref<128x64xf32, #tpu.memory_space<vmem_shared>>) target_semaphore(%run_scoped3A : memref<!tpu.dma_semaphore, #tpu.memory_space<semaphore_mem>>)
      %dma_wait3A = arith.constant 0 : i32
      %dma_wait3A_151 = tpu.memref_slice %arg12[%add3A_14, %dma_wait3A] : memref<10240x64xf32, #tpu.memory_space<vmem_shared>> -> memref<128x64xf32, #tpu.memory_space<vmem_shared>>
      %dma_wait3A_152 = arith.constant 0 : i32
      %dma_wait3A_153 = tpu.memref_slice %arg12[%add3A_14, %dma_wait3A_152] : memref<10240x64xf32, #tpu.memory_space<vmem_shared>> -> memref<128x64xf32, #tpu.memory_space<vmem_shared>>
      tpu.wait_dma2 semaphore(%run_scoped3A : memref<!tpu.dma_semaphore, #tpu.memory_space<semaphore_mem>>) src(%arg7 : memref<128x64xf32, #tpu.memory_space<vmem>>) dst(%dma_wait3A_153 : memref<128x64xf32, #tpu.memory_space<vmem_shared>>)
      tpu.yield
    }) : () -> ()
    %add3A_15 = arith.constant 128 : i32
    %add3A_16 = arith.addi %mul3A_0, %add3A_15 : i32
    "tpu.region"() ({
      %run_scoped3A = tpu.sem_alloc : memref<!tpu.dma_semaphore, #tpu.memory_space<semaphore_mem>>
      %dma_start3A_147 = arith.constant 0 : i32
      %dma_start3A_148 = tpu.memref_slice %arg12[%add3A_16, %dma_start3A_147] : memref<10240x64xf32, #tpu.memory_space<vmem_shared>> -> memref<128x64xf32, #tpu.memory_space<vmem_shared>>
      %dma_start3A_149 = arith.constant 0 : i32
      %dma_start3A_150 = tpu.memref_slice %arg12[%add3A_16, %dma_start3A_149] : memref<10240x64xf32, #tpu.memory_space<vmem_shared>> -> memref<128x64xf32, #tpu.memory_space<vmem_shared>>
      tpu.enqueue_dma source(%arg7 : memref<128x64xf32, #tpu.memory_space<vmem>>) target(%dma_start3A_150 : memref<128x64xf32, #tpu.memory_space<vmem_shared>>) target_semaphore(%run_scoped3A : memref<!tpu.dma_semaphore, #tpu.memory_space<semaphore_mem>>)
      %dma_wait3A = arith.constant 0 : i32
      %dma_wait3A_151 = tpu.memref_slice %arg12[%add3A_16, %dma_wait3A] : memref<10240x64xf32, #tpu.memory_space<vmem_shared>> -> memref<128x64xf32, #tpu.memory_space<vmem_shared>>
      %dma_wait3A_152 = arith.constant 0 : i32
      %dma_wait3A_153 = tpu.memref_slice %arg12[%add3A_16, %dma_wait3A_152] : memref<10240x64xf32, #tpu.memory_space<vmem_shared>> -> memref<128x64xf32, #tpu.memory_space<vmem_shared>>
      tpu.wait_dma2 semaphore(%run_scoped3A : memref<!tpu.dma_semaphore, #tpu.memory_space<semaphore_mem>>) src(%arg7 : memref<128x64xf32, #tpu.memory_space<vmem>>) dst(%dma_wait3A_153 : memref<128x64xf32, #tpu.memory_space<vmem_shared>>)
      tpu.yield
    }) : () -> ()
    %add3A_17 = arith.constant 256 : i32
    %add3A_18 = arith.addi %mul3A_0, %add3A_17 : i32
    "tpu.region"() ({
      %run_scoped3A = tpu.sem_alloc : memref<!tpu.dma_semaphore, #tpu.memory_space<semaphore_mem>>
      %dma_start3A_147 = arith.constant 0 : i32
      %dma_start3A_148 = tpu.memref_slice %arg12[%add3A_18, %dma_start3A_147] : memref<10240x64xf32, #tpu.memory_space<vmem_shared>> -> memref<128x64xf32, #tpu.memory_space<vmem_shared>>
      %dma_start3A_149 = arith.constant 0 : i32
      %dma_start3A_150 = tpu.memref_slice %arg12[%add3A_18, %dma_start3A_149] : memref<10240x64xf32, #tpu.memory_space<vmem_shared>> -> memref<128x64xf32, #tpu.memory_space<vmem_shared>>
      tpu.enqueue_dma source(%arg7 : memref<128x64xf32, #tpu.memory_space<vmem>>) target(%dma_start3A_150 : memref<128x64xf32, #tpu.memory_space<vmem_shared>>) target_semaphore(%run_scoped3A : memref<!tpu.dma_semaphore, #tpu.memory_space<semaphore_mem>>)
      %dma_wait3A = arith.constant 0 : i32
      %dma_wait3A_151 = tpu.memref_slice %arg12[%add3A_18, %dma_wait3A] : memref<10240x64xf32, #tpu.memory_space<vmem_shared>> -> memref<128x64xf32, #tpu.memory_space<vmem_shared>>
      %dma_wait3A_152 = arith.constant 0 : i32
      %dma_wait3A_153 = tpu.memref_slice %arg12[%add3A_18, %dma_wait3A_152] : memref<10240x64xf32, #tpu.memory_space<vmem_shared>> -> memref<128x64xf32, #tpu.memory_space<vmem_shared>>
      tpu.wait_dma2 semaphore(%run_scoped3A : memref<!tpu.dma_semaphore, #tpu.memory_space<semaphore_mem>>) src(%arg7 : memref<128x64xf32, #tpu.memory_space<vmem>>) dst(%dma_wait3A_153 : memref<128x64xf32, #tpu.memory_space<vmem_shared>>)
      tpu.yield
    }) : () -> ()
    %add3A_19 = arith.constant 384 : i32
    %add3A_20 = arith.addi %mul3A_0, %add3A_19 : i32
    "tpu.region"() ({
      %run_scoped3A = tpu.sem_alloc : memref<!tpu.dma_semaphore, #tpu.memory_space<semaphore_mem>>
      %dma_start3A_147 = arith.constant 0 : i32
      %dma_start3A_148 = tpu.memref_slice %arg12[%add3A_20, %dma_start3A_147] : memref<10240x64xf32, #tpu.memory_space<vmem_shared>> -> memref<128x64xf32, #tpu.memory_space<vmem_shared>>
      %dma_start3A_149 = arith.constant 0 : i32
      %dma_start3A_150 = tpu.memref_slice %arg12[%add3A_20, %dma_start3A_149] : memref<10240x64xf32, #tpu.memory_space<vmem_shared>> -> memref<128x64xf32, #tpu.memory_space<vmem_shared>>
      tpu.enqueue_dma source(%arg7 : memref<128x64xf32, #tpu.memory_space<vmem>>) target(%dma_start3A_150 : memref<128x64xf32, #tpu.memory_space<vmem_shared>>) target_semaphore(%run_scoped3A : memref<!tpu.dma_semaphore, #tpu.memory_space<semaphore_mem>>)
      %dma_wait3A = arith.constant 0 : i32
      %dma_wait3A_151 = tpu.memref_slice %arg12[%add3A_20, %dma_wait3A] : memref<10240x64xf32, #tpu.memory_space<vmem_shared>> -> memref<128x64xf32, #tpu.memory_space<vmem_shared>>
      %dma_wait3A_152 = arith.constant 0 : i32
      %dma_wait3A_153 = tpu.memref_slice %arg12[%add3A_20, %dma_wait3A_152] : memref<10240x64xf32, #tpu.memory_space<vmem_shared>> -> memref<128x64xf32, #tpu.memory_space<vmem_shared>>
      tpu.wait_dma2 semaphore(%run_scoped3A : memref<!tpu.dma_semaphore, #tpu.memory_space<semaphore_mem>>) src(%arg7 : memref<128x64xf32, #tpu.memory_space<vmem>>) dst(%dma_wait3A_153 : memref<128x64xf32, #tpu.memory_space<vmem_shared>>)
      tpu.yield
    }) : () -> ()
    %add3A_21 = arith.constant 512 : i32
    %add3A_22 = arith.addi %mul3A_0, %add3A_21 : i32
    "tpu.region"() ({
      %run_scoped3A = tpu.sem_alloc : memref<!tpu.dma_semaphore, #tpu.memory_space<semaphore_mem>>
      %dma_start3A_147 = arith.constant 0 : i32
      %dma_start3A_148 = tpu.memref_slice %arg12[%add3A_22, %dma_start3A_147] : memref<10240x64xf32, #tpu.memory_space<vmem_shared>> -> memref<128x64xf32, #tpu.memory_space<vmem_shared>>
      %dma_start3A_149 = arith.constant 0 : i32
      %dma_start3A_150 = tpu.memref_slice %arg12[%add3A_22, %dma_start3A_149] : memref<10240x64xf32, #tpu.memory_space<vmem_shared>> -> memref<128x64xf32, #tpu.memory_space<vmem_shared>>
      tpu.enqueue_dma source(%arg7 : memref<128x64xf32, #tpu.memory_space<vmem>>) target(%dma_start3A_150 : memref<128x64xf32, #tpu.memory_space<vmem_shared>>) target_semaphore(%run_scoped3A : memref<!tpu.dma_semaphore, #tpu.memory_space<semaphore_mem>>)
      %dma_wait3A = arith.constant 0 : i32
      %dma_wait3A_151 = tpu.memref_slice %arg12[%add3A_22, %dma_wait3A] : memref<10240x64xf32, #tpu.memory_space<vmem_shared>> -> memref<128x64xf32, #tpu.memory_space<vmem_shared>>
      %dma_wait3A_152 = arith.constant 0 : i32
      %dma_wait3A_153 = tpu.memref_slice %arg12[%add3A_22, %dma_wait3A_152] : memref<10240x64xf32, #tpu.memory_space<vmem_shared>> -> memref<128x64xf32, #tpu.memory_space<vmem_shared>>
      tpu.wait_dma2 semaphore(%run_scoped3A : memref<!tpu.dma_semaphore, #tpu.memory_space<semaphore_mem>>) src(%arg7 : memref<128x64xf32, #tpu.memory_space<vmem>>) dst(%dma_wait3A_153 : memref<128x64xf32, #tpu.memory_space<vmem_shared>>)
      tpu.yield
    }) : () -> ()
    %mul3A_23 = arith.constant 64 : i32
    %mul3A_24 = arith.muli %arg0, %mul3A_23 : i32
    "tpu.region"() ({
      %run_scoped3A = tpu.sem_alloc : memref<!tpu.dma_semaphore, #tpu.memory_space<semaphore_mem>>
      %dma_start3A_147 = arith.constant 0 : i32
      %dma_start3A_148 = tpu.memref_slice %arg11[%mul3A_0, %dma_start3A_147] : memref<10240x64xf32, #tpu.memory_space<vmem_shared>> -> memref<640x64xf32, #tpu.memory_space<vmem_shared>>
      %dma_start3A_149 = tpu.memref_slice %arg2[%mul3A_0, %mul3A_24] : memref<10240x128xf32, #tpu.memory_space<hbm>> -> memref<640x64xf32, #tpu.memory_space<hbm>>
      tpu.enqueue_dma source(%dma_start3A_149 : memref<640x64xf32, #tpu.memory_space<hbm>>) target(%dma_start3A_148 : memref<640x64xf32, #tpu.memory_space<vmem_shared>>) target_semaphore(%run_scoped3A : memref<!tpu.dma_semaphore, #tpu.memory_space<semaphore_mem>>)
      %dma_wait3A = arith.constant 0 : i32
      %dma_wait3A_150 = tpu.memref_slice %arg11[%mul3A_0, %dma_wait3A] : memref<10240x64xf32, #tpu.memory_space<vmem_shared>> -> memref<640x64xf32, #tpu.memory_space<vmem_shared>>
      %dma_wait3A_151 = tpu.memref_slice %arg2[%mul3A_0, %mul3A_24] : memref<10240x128xf32, #tpu.memory_space<hbm>> -> memref<640x64xf32, #tpu.memory_space<hbm>>
      tpu.wait_dma2 semaphore(%run_scoped3A : memref<!tpu.dma_semaphore, #tpu.memory_space<semaphore_mem>>) src(%dma_wait3A_151 : memref<640x64xf32, #tpu.memory_space<hbm>>) dst(%dma_wait3A_150 : memref<640x64xf32, #tpu.memory_space<vmem_shared>>)
      tpu.yield
    }) : () -> ()
    %add3A_25 = arith.constant 0 : i32
    %add3A_26 = arith.addi %add3A_7, %add3A_25 : i32
    %mul3A_27 = arith.constant 128 : i32
    %mul3A_28 = arith.muli %add3A_26, %mul3A_27 : i32
    %dma_start3A = arith.constant 0 : i32
    %dma_start3A_29 = arith.constant 0 : i32
    %dma_start3A_30 = arith.constant 0 : i32
    %dma_start3A_31 = tpu.memref_slice %arg5[%dma_start3A_29, %dma_start3A_30] : memref<4x128xi32, #tpu.memory_space<vmem>> -> memref<1x128xi32, #tpu.memory_space<vmem>>
    %dma_start3A_32 = tpu.memref_squeeze %dma_start3A_31 : memref<1x128xi32, #tpu.memory_space<vmem>> -> memref<128xi32, #tpu.memory_space<vmem>>
    %dma_start3A_33 = tpu.memref_slice %arg3[%dma_start3A, %mul3A_28] : memref<2x320000xi32, #tpu.memory_space<hbm>> -> memref<1x128xi32, #tpu.memory_space<hbm>>
    %dma_start3A_34 = tpu.memref_squeeze %dma_start3A_33 : memref<1x128xi32, #tpu.memory_space<hbm>> -> memref<128xi32, #tpu.memory_space<hbm>>
    %dma_start3A_35 = arith.constant 0 : i32
    %dma_start3A_36 = tpu.memref_slice %arg5[%dma_start3A_29, %dma_start3A_35] : memref<4x128xi32, #tpu.memory_space<vmem>> -> memref<1x128xi32, #tpu.memory_space<vmem>>
    %dma_start3A_37 = tpu.memref_squeeze %dma_start3A_36 : memref<1x128xi32, #tpu.memory_space<vmem>> -> memref<128xi32, #tpu.memory_space<vmem>>
    %dma_start3A_38 = tpu.memref_slice %arg3[%dma_start3A, %mul3A_28] : memref<2x320000xi32, #tpu.memory_space<hbm>> -> memref<1x128xi32, #tpu.memory_space<hbm>>
    %dma_start3A_39 = tpu.memref_squeeze %dma_start3A_38 : memref<1x128xi32, #tpu.memory_space<hbm>> -> memref<128xi32, #tpu.memory_space<hbm>>
    tpu.enqueue_dma source(%dma_start3A_39 : memref<128xi32, #tpu.memory_space<hbm>>) target(%dma_start3A_37 : memref<128xi32, #tpu.memory_space<vmem>>) target_semaphore(%arg21 : memref<!tpu.dma_semaphore, #tpu.memory_space<semaphore_mem>>)
    %dma_start3A_40 = arith.constant 1 : i32
    %dma_start3A_41 = arith.constant 0 : i32
    %dma_start3A_42 = arith.constant 0 : i32
    %dma_start3A_43 = tpu.memref_slice %arg6[%dma_start3A_41, %dma_start3A_42] : memref<4x128xi32, #tpu.memory_space<vmem>> -> memref<1x128xi32, #tpu.memory_space<vmem>>
    %dma_start3A_44 = tpu.memref_squeeze %dma_start3A_43 : memref<1x128xi32, #tpu.memory_space<vmem>> -> memref<128xi32, #tpu.memory_space<vmem>>
    %dma_start3A_45 = tpu.memref_slice %arg3[%dma_start3A_40, %mul3A_28] : memref<2x320000xi32, #tpu.memory_space<hbm>> -> memref<1x128xi32, #tpu.memory_space<hbm>>
    %dma_start3A_46 = tpu.memref_squeeze %dma_start3A_45 : memref<1x128xi32, #tpu.memory_space<hbm>> -> memref<128xi32, #tpu.memory_space<hbm>>
    %dma_start3A_47 = arith.constant 0 : i32
    %dma_start3A_48 = tpu.memref_slice %arg6[%dma_start3A_41, %dma_start3A_47] : memref<4x128xi32, #tpu.memory_space<vmem>> -> memref<1x128xi32, #tpu.memory_space<vmem>>
    %dma_start3A_49 = tpu.memref_squeeze %dma_start3A_48 : memref<1x128xi32, #tpu.memory_space<vmem>> -> memref<128xi32, #tpu.memory_space<vmem>>
    %dma_start3A_50 = tpu.memref_slice %arg3[%dma_start3A_40, %mul3A_28] : memref<2x320000xi32, #tpu.memory_space<hbm>> -> memref<1x128xi32, #tpu.memory_space<hbm>>
    %dma_start3A_51 = tpu.memref_squeeze %dma_start3A_50 : memref<1x128xi32, #tpu.memory_space<hbm>> -> memref<128xi32, #tpu.memory_space<hbm>>
    tpu.enqueue_dma source(%dma_start3A_51 : memref<128xi32, #tpu.memory_space<hbm>>) target(%dma_start3A_49 : memref<128xi32, #tpu.memory_space<vmem>>) target_semaphore(%arg21 : memref<!tpu.dma_semaphore, #tpu.memory_space<semaphore_mem>>)
    %add3A_52 = arith.constant 1 : i32
    %add3A_53 = arith.addi %add3A_7, %add3A_52 : i32
    %mul3A_54 = arith.constant 128 : i32
    %mul3A_55 = arith.muli %add3A_53, %mul3A_54 : i32
    %dma_start3A_56 = arith.constant 0 : i32
    %dma_start3A_57 = arith.constant 1 : i32
    %dma_start3A_58 = arith.constant 0 : i32
    %dma_start3A_59 = tpu.memref_slice %arg5[%dma_start3A_57, %dma_start3A_58] : memref<4x128xi32, #tpu.memory_space<vmem>> -> memref<1x128xi32, #tpu.memory_space<vmem>>
    %dma_start3A_60 = tpu.memref_squeeze %dma_start3A_59 : memref<1x128xi32, #tpu.memory_space<vmem>> -> memref<128xi32, #tpu.memory_space<vmem>>
    %dma_start3A_61 = tpu.memref_slice %arg3[%dma_start3A_56, %mul3A_55] : memref<2x320000xi32, #tpu.memory_space<hbm>> -> memref<1x128xi32, #tpu.memory_space<hbm>>
    %dma_start3A_62 = tpu.memref_squeeze %dma_start3A_61 : memref<1x128xi32, #tpu.memory_space<hbm>> -> memref<128xi32, #tpu.memory_space<hbm>>
    %dma_start3A_63 = arith.constant 0 : i32
    %dma_start3A_64 = tpu.memref_slice %arg5[%dma_start3A_57, %dma_start3A_63] : memref<4x128xi32, #tpu.memory_space<vmem>> -> memref<1x128xi32, #tpu.memory_space<vmem>>
    %dma_start3A_65 = tpu.memref_squeeze %dma_start3A_64 : memref<1x128xi32, #tpu.memory_space<vmem>> -> memref<128xi32, #tpu.memory_space<vmem>>
    %dma_start3A_66 = tpu.memref_slice %arg3[%dma_start3A_56, %mul3A_55] : memref<2x320000xi32, #tpu.memory_space<hbm>> -> memref<1x128xi32, #tpu.memory_space<hbm>>
    %dma_start3A_67 = tpu.memref_squeeze %dma_start3A_66 : memref<1x128xi32, #tpu.memory_space<hbm>> -> memref<128xi32, #tpu.memory_space<hbm>>
    tpu.enqueue_dma source(%dma_start3A_67 : memref<128xi32, #tpu.memory_space<hbm>>) target(%dma_start3A_65 : memref<128xi32, #tpu.memory_space<vmem>>) target_semaphore(%arg21 : memref<!tpu.dma_semaphore, #tpu.memory_space<semaphore_mem>>)
    %dma_start3A_68 = arith.constant 1 : i32
    %dma_start3A_69 = arith.constant 1 : i32
    %dma_start3A_70 = arith.constant 0 : i32
    %dma_start3A_71 = tpu.memref_slice %arg6[%dma_start3A_69, %dma_start3A_70] : memref<4x128xi32, #tpu.memory_space<vmem>> -> memref<1x128xi32, #tpu.memory_space<vmem>>
    %dma_start3A_72 = tpu.memref_squeeze %dma_start3A_71 : memref<1x128xi32, #tpu.memory_space<vmem>> -> memref<128xi32, #tpu.memory_space<vmem>>
    %dma_start3A_73 = tpu.memref_slice %arg3[%dma_start3A_68, %mul3A_55] : memref<2x320000xi32, #tpu.memory_space<hbm>> -> memref<1x128xi32, #tpu.memory_space<hbm>>
    %dma_start3A_74 = tpu.memref_squeeze %dma_start3A_73 : memref<1x128xi32, #tpu.memory_space<hbm>> -> memref<128xi32, #tpu.memory_space<hbm>>
    %dma_start3A_75 = arith.constant 0 : i32
    %dma_start3A_76 = tpu.memref_slice %arg6[%dma_start3A_69, %dma_start3A_75] : memref<4x128xi32, #tpu.memory_space<vmem>> -> memref<1x128xi32, #tpu.memory_space<vmem>>
    %dma_start3A_77 = tpu.memref_squeeze %dma_start3A_76 : memref<1x128xi32, #tpu.memory_space<vmem>> -> memref<128xi32, #tpu.memory_space<vmem>>
    %dma_start3A_78 = tpu.memref_slice %arg3[%dma_start3A_68, %mul3A_55] : memref<2x320000xi32, #tpu.memory_space<hbm>> -> memref<1x128xi32, #tpu.memory_space<hbm>>
    %dma_start3A_79 = tpu.memref_squeeze %dma_start3A_78 : memref<1x128xi32, #tpu.memory_space<hbm>> -> memref<128xi32, #tpu.memory_space<hbm>>
    tpu.enqueue_dma source(%dma_start3A_79 : memref<128xi32, #tpu.memory_space<hbm>>) target(%dma_start3A_77 : memref<128xi32, #tpu.memory_space<vmem>>) target_semaphore(%arg21 : memref<!tpu.dma_semaphore, #tpu.memory_space<semaphore_mem>>)
    %add3A_80 = arith.constant 2 : i32
    %add3A_81 = arith.addi %add3A_7, %add3A_80 : i32
    %mul3A_82 = arith.constant 128 : i32
    %mul3A_83 = arith.muli %add3A_81, %mul3A_82 : i32
    %dma_start3A_84 = arith.constant 0 : i32
    %dma_start3A_85 = arith.constant 2 : i32
    %dma_start3A_86 = arith.constant 0 : i32
    %dma_start3A_87 = tpu.memref_slice %arg5[%dma_start3A_85, %dma_start3A_86] : memref<4x128xi32, #tpu.memory_space<vmem>> -> memref<1x128xi32, #tpu.memory_space<vmem>>
    %dma_start3A_88 = tpu.memref_squeeze %dma_start3A_87 : memref<1x128xi32, #tpu.memory_space<vmem>> -> memref<128xi32, #tpu.memory_space<vmem>>
    %dma_start3A_89 = tpu.memref_slice %arg3[%dma_start3A_84, %mul3A_83] : memref<2x320000xi32, #tpu.memory_space<hbm>> -> memref<1x128xi32, #tpu.memory_space<hbm>>
    %dma_start3A_90 = tpu.memref_squeeze %dma_start3A_89 : memref<1x128xi32, #tpu.memory_space<hbm>> -> memref<128xi32, #tpu.memory_space<hbm>>
    %dma_start3A_91 = arith.constant 0 : i32
    %dma_start3A_92 = tpu.memref_slice %arg5[%dma_start3A_85, %dma_start3A_91] : memref<4x128xi32, #tpu.memory_space<vmem>> -> memref<1x128xi32, #tpu.memory_space<vmem>>
    %dma_start3A_93 = tpu.memref_squeeze %dma_start3A_92 : memref<1x128xi32, #tpu.memory_space<vmem>> -> memref<128xi32, #tpu.memory_space<vmem>>
    %dma_start3A_94 = tpu.memref_slice %arg3[%dma_start3A_84, %mul3A_83] : memref<2x320000xi32, #tpu.memory_space<hbm>> -> memref<1x128xi32, #tpu.memory_space<hbm>>
    %dma_start3A_95 = tpu.memref_squeeze %dma_start3A_94 : memref<1x128xi32, #tpu.memory_space<hbm>> -> memref<128xi32, #tpu.memory_space<hbm>>
    tpu.enqueue_dma source(%dma_start3A_95 : memref<128xi32, #tpu.memory_space<hbm>>) target(%dma_start3A_93 : memref<128xi32, #tpu.memory_space<vmem>>) target_semaphore(%arg22 : memref<!tpu.dma_semaphore, #tpu.memory_space<semaphore_mem>>)
    %dma_start3A_96 = arith.constant 1 : i32
    %dma_start3A_97 = arith.constant 2 : i32
    %dma_start3A_98 = arith.constant 0 : i32
    %dma_start3A_99 = tpu.memref_slice %arg6[%dma_start3A_97, %dma_start3A_98] : memref<4x128xi32, #tpu.memory_space<vmem>> -> memref<1x128xi32, #tpu.memory_space<vmem>>
    %dma_start3A_100 = tpu.memref_squeeze %dma_start3A_99 : memref<1x128xi32, #tpu.memory_space<vmem>> -> memref<128xi32, #tpu.memory_space<vmem>>
    %dma_start3A_101 = tpu.memref_slice %arg3[%dma_start3A_96, %mul3A_83] : memref<2x320000xi32, #tpu.memory_space<hbm>> -> memref<1x128xi32, #tpu.memory_space<hbm>>
    %dma_start3A_102 = tpu.memref_squeeze %dma_start3A_101 : memref<1x128xi32, #tpu.memory_space<hbm>> -> memref<128xi32, #tpu.memory_space<hbm>>
    %dma_start3A_103 = arith.constant 0 : i32
    %dma_start3A_104 = tpu.memref_slice %arg6[%dma_start3A_97, %dma_start3A_103] : memref<4x128xi32, #tpu.memory_space<vmem>> -> memref<1x128xi32, #tpu.memory_space<vmem>>
    %dma_start3A_105 = tpu.memref_squeeze %dma_start3A_104 : memref<1x128xi32, #tpu.memory_space<vmem>> -> memref<128xi32, #tpu.memory_space<vmem>>
    %dma_start3A_106 = tpu.memref_slice %arg3[%dma_start3A_96, %mul3A_83] : memref<2x320000xi32, #tpu.memory_space<hbm>> -> memref<1x128xi32, #tpu.memory_space<hbm>>
    %dma_start3A_107 = tpu.memref_squeeze %dma_start3A_106 : memref<1x128xi32, #tpu.memory_space<hbm>> -> memref<128xi32, #tpu.memory_space<hbm>>
    tpu.enqueue_dma source(%dma_start3A_107 : memref<128xi32, #tpu.memory_space<hbm>>) target(%dma_start3A_105 : memref<128xi32, #tpu.memory_space<vmem>>) target_semaphore(%arg22 : memref<!tpu.dma_semaphore, #tpu.memory_space<semaphore_mem>>)
    %add3A_108 = arith.constant 3 : i32
    %add3A_109 = arith.addi %add3A_7, %add3A_108 : i32
    %mul3A_110 = arith.constant 128 : i32
    %mul3A_111 = arith.muli %add3A_109, %mul3A_110 : i32
    %dma_start3A_112 = arith.constant 0 : i32
    %dma_start3A_113 = arith.constant 3 : i32
    %dma_start3A_114 = arith.constant 0 : i32
    %dma_start3A_115 = tpu.memref_slice %arg5[%dma_start3A_113, %dma_start3A_114] : memref<4x128xi32, #tpu.memory_space<vmem>> -> memref<1x128xi32, #tpu.memory_space<vmem>>
    %dma_start3A_116 = tpu.memref_squeeze %dma_start3A_115 : memref<1x128xi32, #tpu.memory_space<vmem>> -> memref<128xi32, #tpu.memory_space<vmem>>
    %dma_start3A_117 = tpu.memref_slice %arg3[%dma_start3A_112, %mul3A_111] : memref<2x320000xi32, #tpu.memory_space<hbm>> -> memref<1x128xi32, #tpu.memory_space<hbm>>
    %dma_start3A_118 = tpu.memref_squeeze %dma_start3A_117 : memref<1x128xi32, #tpu.memory_space<hbm>> -> memref<128xi32, #tpu.memory_space<hbm>>
    %dma_start3A_119 = arith.constant 0 : i32
    %dma_start3A_120 = tpu.memref_slice %arg5[%dma_start3A_113, %dma_start3A_119] : memref<4x128xi32, #tpu.memory_space<vmem>> -> memref<1x128xi32, #tpu.memory_space<vmem>>
    %dma_start3A_121 = tpu.memref_squeeze %dma_start3A_120 : memref<1x128xi32, #tpu.memory_space<vmem>> -> memref<128xi32, #tpu.memory_space<vmem>>
    %dma_start3A_122 = tpu.memref_slice %arg3[%dma_start3A_112, %mul3A_111] : memref<2x320000xi32, #tpu.memory_space<hbm>> -> memref<1x128xi32, #tpu.memory_space<hbm>>
    %dma_start3A_123 = tpu.memref_squeeze %dma_start3A_122 : memref<1x128xi32, #tpu.memory_space<hbm>> -> memref<128xi32, #tpu.memory_space<hbm>>
    tpu.enqueue_dma source(%dma_start3A_123 : memref<128xi32, #tpu.memory_space<hbm>>) target(%dma_start3A_121 : memref<128xi32, #tpu.memory_space<vmem>>) target_semaphore(%arg22 : memref<!tpu.dma_semaphore, #tpu.memory_space<semaphore_mem>>)
    %dma_start3A_124 = arith.constant 1 : i32
    %dma_start3A_125 = arith.constant 3 : i32
    %dma_start3A_126 = arith.constant 0 : i32
    %dma_start3A_127 = tpu.memref_slice %arg6[%dma_start3A_125, %dma_start3A_126] : memref<4x128xi32, #tpu.memory_space<vmem>> -> memref<1x128xi32, #tpu.memory_space<vmem>>
    %dma_start3A_128 = tpu.memref_squeeze %dma_start3A_127 : memref<1x128xi32, #tpu.memory_space<vmem>> -> memref<128xi32, #tpu.memory_space<vmem>>
    %dma_start3A_129 = tpu.memref_slice %arg3[%dma_start3A_124, %mul3A_111] : memref<2x320000xi32, #tpu.memory_space<hbm>> -> memref<1x128xi32, #tpu.memory_space<hbm>>
    %dma_start3A_130 = tpu.memref_squeeze %dma_start3A_129 : memref<1x128xi32, #tpu.memory_space<hbm>> -> memref<128xi32, #tpu.memory_space<hbm>>
    %dma_start3A_131 = arith.constant 0 : i32
    %dma_start3A_132 = tpu.memref_slice %arg6[%dma_start3A_125, %dma_start3A_131] : memref<4x128xi32, #tpu.memory_space<vmem>> -> memref<1x128xi32, #tpu.memory_space<vmem>>
    %dma_start3A_133 = tpu.memref_squeeze %dma_start3A_132 : memref<1x128xi32, #tpu.memory_space<vmem>> -> memref<128xi32, #tpu.memory_space<vmem>>
    %dma_start3A_134 = tpu.memref_slice %arg3[%dma_start3A_124, %mul3A_111] : memref<2x320000xi32, #tpu.memory_space<hbm>> -> memref<1x128xi32, #tpu.memory_space<hbm>>
    %dma_start3A_135 = tpu.memref_squeeze %dma_start3A_134 : memref<1x128xi32, #tpu.memory_space<hbm>> -> memref<128xi32, #tpu.memory_space<hbm>>
    tpu.enqueue_dma source(%dma_start3A_135 : memref<128xi32, #tpu.memory_space<hbm>>) target(%dma_start3A_133 : memref<128xi32, #tpu.memory_space<vmem>>) target_semaphore(%arg22 : memref<!tpu.dma_semaphore, #tpu.memory_space<semaphore_mem>>)
    %barrier3A = arith.constant 0 : index
    tpu.barrier barrier_id(%barrier3A)
    %scan3A_136 = arith.constant 0 : i32
    %scan3A_137 = arith.constant 0 : i32
    %scan3A_138 = arith.constant 39 : i32
    %scan3A_139 = arith.addi %scan3A_137, %scan3A_138 : i32
    %scan3A_140 = arith.constant 1 : i32
    scf.for %scan3A_147 = %scan3A_137 to %scan3A_139 step %scan3A_140  : i32 {
      %mul3A_148 = arith.constant 4 : i32
      %mul3A_149 = arith.muli %mul3A_148, %scan3A_147 : i32
      %dma_wait3A = arith.constant 0 : i32
      %dma_wait3A_150 = arith.constant 0 : i32
      %dma_wait3A_151 = arith.constant 0 : i32
      %dma_wait3A_152 = tpu.memref_slice %arg5[%dma_wait3A_150, %dma_wait3A_151] : memref<4x128xi32, #tpu.memory_space<vmem>> -> memref<1x128xi32, #tpu.memory_space<vmem>>
      %dma_wait3A_153 = tpu.memref_squeeze %dma_wait3A_152 : memref<1x128xi32, #tpu.memory_space<vmem>> -> memref<128xi32, #tpu.memory_space<vmem>>
      %dma_wait3A_154 = arith.constant 0 : i32
      %dma_wait3A_155 = tpu.memref_slice %arg3[%dma_wait3A, %dma_wait3A_154] : memref<2x320000xi32, #tpu.memory_space<hbm>> -> memref<1x128xi32, #tpu.memory_space<hbm>>
      %dma_wait3A_156 = tpu.memref_squeeze %dma_wait3A_155 : memref<1x128xi32, #tpu.memory_space<hbm>> -> memref<128xi32, #tpu.memory_space<hbm>>
      %dma_wait3A_157 = arith.constant 0 : i32
      %dma_wait3A_158 = tpu.memref_slice %arg5[%dma_wait3A_150, %dma_wait3A_157] : memref<4x128xi32, #tpu.memory_space<vmem>> -> memref<1x128xi32, #tpu.memory_space<vmem>>
      %dma_wait3A_159 = tpu.memref_squeeze %dma_wait3A_158 : memref<1x128xi32, #tpu.memory_space<vmem>> -> memref<128xi32, #tpu.memory_space<vmem>>
      %dma_wait3A_160 = arith.constant 0 : i32
      %dma_wait3A_161 = tpu.memref_slice %arg3[%dma_wait3A, %dma_wait3A_160] : memref<2x320000xi32, #tpu.memory_space<hbm>> -> memref<1x128xi32, #tpu.memory_space<hbm>>
      %dma_wait3A_162 = tpu.memref_squeeze %dma_wait3A_161 : memref<1x128xi32, #tpu.memory_space<hbm>> -> memref<128xi32, #tpu.memory_space<hbm>>
      tpu.wait_dma2 semaphore(%arg21 : memref<!tpu.dma_semaphore, #tpu.memory_space<semaphore_mem>>) src(%dma_wait3A_162 : memref<128xi32, #tpu.memory_space<hbm>>) dst(%dma_wait3A_159 : memref<128xi32, #tpu.memory_space<vmem>>)
      %dma_wait3A_163 = arith.constant 0 : i32
      %dma_wait3A_164 = arith.constant 0 : i32
      %dma_wait3A_165 = arith.constant 0 : i32
      %dma_wait3A_166 = tpu.memref_slice %arg5[%dma_wait3A_164, %dma_wait3A_165] : memref<4x128xi32, #tpu.memory_space<vmem>> -> memref<1x128xi32, #tpu.memory_space<vmem>>
      %dma_wait3A_167 = tpu.memref_squeeze %dma_wait3A_166 : memref<1x128xi32, #tpu.memory_space<vmem>> -> memref<128xi32, #tpu.memory_space<vmem>>
      %dma_wait3A_168 = arith.constant 0 : i32
      %dma_wait3A_169 = tpu.memref_slice %arg3[%dma_wait3A_163, %dma_wait3A_168] : memref<2x320000xi32, #tpu.memory_space<hbm>> -> memref<1x128xi32, #tpu.memory_space<hbm>>
      %dma_wait3A_170 = tpu.memref_squeeze %dma_wait3A_169 : memref<1x128xi32, #tpu.memory_space<hbm>> -> memref<128xi32, #tpu.memory_space<hbm>>
      %dma_wait3A_171 = arith.constant 0 : i32
      %dma_wait3A_172 = tpu.memref_slice %arg5[%dma_wait3A_164, %dma_wait3A_171] : memref<4x128xi32, #tpu.memory_space<vmem>> -> memref<1x128xi32, #tpu.memory_space<vmem>>
      %dma_wait3A_173 = tpu.memref_squeeze %dma_wait3A_172 : memref<1x128xi32, #tpu.memory_space<vmem>> -> memref<128xi32, #tpu.memory_space<vmem>>
      %dma_wait3A_174 = arith.constant 0 : i32
      %dma_wait3A_175 = tpu.memref_slice %arg3[%dma_wait3A_163, %dma_wait3A_174] : memref<2x320000xi32, #tpu.memory_space<hbm>> -> memref<1x128xi32, #tpu.memory_space<hbm>>
      %dma_wait3A_176 = tpu.memref_squeeze %dma_wait3A_175 : memref<1x128xi32, #tpu.memory_space<hbm>> -> memref<128xi32, #tpu.memory_space<hbm>>
      tpu.wait_dma2 semaphore(%arg21 : memref<!tpu.dma_semaphore, #tpu.memory_space<semaphore_mem>>) src(%dma_wait3A_176 : memref<128xi32, #tpu.memory_space<hbm>>) dst(%dma_wait3A_173 : memref<128xi32, #tpu.memory_space<vmem>>)
      %dma_wait3A_177 = arith.constant 0 : i32
      %dma_wait3A_178 = arith.constant 0 : i32
      %dma_wait3A_179 = arith.constant 0 : i32
      %dma_wait3A_180 = tpu.memref_slice %arg5[%dma_wait3A_178, %dma_wait3A_179] : memref<4x128xi32, #tpu.memory_space<vmem>> -> memref<1x128xi32, #tpu.memory_space<vmem>>
      %dma_wait3A_181 = tpu.memref_squeeze %dma_wait3A_180 : memref<1x128xi32, #tpu.memory_space<vmem>> -> memref<128xi32, #tpu.memory_space<vmem>>
      %dma_wait3A_182 = arith.constant 0 : i32
      %dma_wait3A_183 = tpu.memref_slice %arg3[%dma_wait3A_177, %dma_wait3A_182] : memref<2x320000xi32, #tpu.memory_space<hbm>> -> memref<1x128xi32, #tpu.memory_space<hbm>>
      %dma_wait3A_184 = tpu.memref_squeeze %dma_wait3A_183 : memref<1x128xi32, #tpu.memory_space<hbm>> -> memref<128xi32, #tpu.memory_space<hbm>>
      %dma_wait3A_185 = arith.constant 0 : i32
      %dma_wait3A_186 = tpu.memref_slice %arg5[%dma_wait3A_178, %dma_wait3A_185] : memref<4x128xi32, #tpu.memory_space<vmem>> -> memref<1x128xi32, #tpu.memory_space<vmem>>
      %dma_wait3A_187 = tpu.memref_squeeze %dma_wait3A_186 : memref<1x128xi32, #tpu.memory_space<vmem>> -> memref<128xi32, #tpu.memory_space<vmem>>
      %dma_wait3A_188 = arith.constant 0 : i32
      %dma_wait3A_189 = tpu.memref_slice %arg3[%dma_wait3A_177, %dma_wait3A_188] : memref<2x320000xi32, #tpu.memory_space<hbm>> -> memref<1x128xi32, #tpu.memory_space<hbm>>
      %dma_wait3A_190 = tpu.memref_squeeze %dma_wait3A_189 : memref<1x128xi32, #tpu.memory_space<hbm>> -> memref<128xi32, #tpu.memory_space<hbm>>
      tpu.wait_dma2 semaphore(%arg21 : memref<!tpu.dma_semaphore, #tpu.memory_space<semaphore_mem>>) src(%dma_wait3A_190 : memref<128xi32, #tpu.memory_space<hbm>>) dst(%dma_wait3A_187 : memref<128xi32, #tpu.memory_space<vmem>>)
      %dma_wait3A_191 = arith.constant 0 : i32
      %dma_wait3A_192 = arith.constant 0 : i32
      %dma_wait3A_193 = arith.constant 0 : i32
      %dma_wait3A_194 = tpu.memref_slice %arg5[%dma_wait3A_192, %dma_wait3A_193] : memref<4x128xi32, #tpu.memory_space<vmem>> -> memref<1x128xi32, #tpu.memory_space<vmem>>
      %dma_wait3A_195 = tpu.memref_squeeze %dma_wait3A_194 : memref<1x128xi32, #tpu.memory_space<vmem>> -> memref<128xi32, #tpu.memory_space<vmem>>
      %dma_wait3A_196 = arith.constant 0 : i32
      %dma_wait3A_197 = tpu.memref_slice %arg3[%dma_wait3A_191, %dma_wait3A_196] : memref<2x320000xi32, #tpu.memory_space<hbm>> -> memref<1x128xi32, #tpu.memory_space<hbm>>
      %dma_wait3A_198 = tpu.memref_squeeze %dma_wait3A_197 : memref<1x128xi32, #tpu.memory_space<hbm>> -> memref<128xi32, #tpu.memory_space<hbm>>
      %dma_wait3A_199 = arith.constant 0 : i32
      %dma_wait3A_200 = tpu.memref_slice %arg5[%dma_wait3A_192, %dma_wait3A_199] : memref<4x128xi32, #tpu.memory_space<vmem>> -> memref<1x128xi32, #tpu.memory_space<vmem>>
      %dma_wait3A_201 = tpu.memref_squeeze %dma_wait3A_200 : memref<1x128xi32, #tpu.memory_space<vmem>> -> memref<128xi32, #tpu.memory_space<vmem>>
      %dma_wait3A_202 = arith.constant 0 : i32
      %dma_wait3A_203 = tpu.memref_slice %arg3[%dma_wait3A_191, %dma_wait3A_202] : memref<2x320000xi32, #tpu.memory_space<hbm>> -> memref<1x128xi32, #tpu.memory_space<hbm>>
      %dma_wait3A_204 = tpu.memref_squeeze %dma_wait3A_203 : memref<1x128xi32, #tpu.memory_space<hbm>> -> memref<128xi32, #tpu.memory_space<hbm>>
      tpu.wait_dma2 semaphore(%arg21 : memref<!tpu.dma_semaphore, #tpu.memory_space<semaphore_mem>>) src(%dma_wait3A_204 : memref<128xi32, #tpu.memory_space<hbm>>) dst(%dma_wait3A_201 : memref<128xi32, #tpu.memory_space<vmem>>)
      %dma_start3A_205 = arith.constant 0 : i32
      %dma_start3A_206 = arith.constant 0 : i32
      %dma_start3A_207 = tpu.memref_slice %arg5[%dma_start3A_205, %dma_start3A_206] : memref<4x128xi32, #tpu.memory_space<vmem>> -> memref<1x128xi32, #tpu.memory_space<vmem>>
      %dma_start3A_208 = tpu.memref_squeeze %dma_start3A_207 : memref<1x128xi32, #tpu.memory_space<vmem>> -> memref<128xi32, #tpu.memory_space<vmem>>
      %dma_start3A_209 = arith.constant 0 : i32
      %dma_start3A_210 = arith.constant 0 : i32
      %dma_start3A_211 = tpu.memref_slice %arg11[%dma_start3A_209, %dma_start3A_210] : memref<10240x64xf32, #tpu.memory_space<vmem_shared>> -> memref<10240x64xf32, #tpu.memory_space<vmem_shared>>
      tpu.enqueue_indirect_dma source(%dma_start3A_211 : memref<10240x64xf32, #tpu.memory_space<vmem_shared>>) target(%arg7 : memref<128x64xf32, #tpu.memory_space<vmem>>) offsets(%dma_start3A_208 : memref<128xi32, #tpu.memory_space<vmem>>) semaphore(%arg13 : memref<!tpu.dma_semaphore, #tpu.memory_space<semaphore_mem>>)
      %dma_start3A_212 = arith.constant 1 : i32
      %dma_start3A_213 = arith.constant 0 : i32
      %dma_start3A_214 = tpu.memref_slice %arg5[%dma_start3A_212, %dma_start3A_213] : memref<4x128xi32, #tpu.memory_space<vmem>> -> memref<1x128xi32, #tpu.memory_space<vmem>>
      %dma_start3A_215 = tpu.memref_squeeze %dma_start3A_214 : memref<1x128xi32, #tpu.memory_space<vmem>> -> memref<128xi32, #tpu.memory_space<vmem>>
      %dma_start3A_216 = arith.constant 0 : i32
      %dma_start3A_217 = arith.constant 0 : i32
      %dma_start3A_218 = tpu.memref_slice %arg11[%dma_start3A_216, %dma_start3A_217] : memref<10240x64xf32, #tpu.memory_space<vmem_shared>> -> memref<10240x64xf32, #tpu.memory_space<vmem_shared>>
      tpu.enqueue_indirect_dma source(%dma_start3A_218 : memref<10240x64xf32, #tpu.memory_space<vmem_shared>>) target(%arg8 : memref<128x64xf32, #tpu.memory_space<vmem>>) offsets(%dma_start3A_215 : memref<128xi32, #tpu.memory_space<vmem>>) semaphore(%arg14 : memref<!tpu.dma_semaphore, #tpu.memory_space<semaphore_mem>>)
      %dma_wait3A_219 = arith.constant 0 : i32
      %dma_wait3A_220 = arith.constant 0 : i32
      %dma_wait3A_221 = arith.constant 0 : i32
      %dma_wait3A_222 = tpu.memref_slice %arg5[%dma_wait3A_220, %dma_wait3A_221] : memref<4x128xi32, #tpu.memory_space<vmem>> -> memref<1x128xi32, #tpu.memory_space<vmem>>
      %dma_wait3A_223 = tpu.memref_squeeze %dma_wait3A_222 : memref<1x128xi32, #tpu.memory_space<vmem>> -> memref<128xi32, #tpu.memory_space<vmem>>
      %dma_wait3A_224 = arith.constant 0 : i32
      %dma_wait3A_225 = tpu.memref_slice %arg3[%dma_wait3A_219, %dma_wait3A_224] : memref<2x320000xi32, #tpu.memory_space<hbm>> -> memref<1x128xi32, #tpu.memory_space<hbm>>
      %dma_wait3A_226 = tpu.memref_squeeze %dma_wait3A_225 : memref<1x128xi32, #tpu.memory_space<hbm>> -> memref<128xi32, #tpu.memory_space<hbm>>
      %dma_wait3A_227 = arith.constant 0 : i32
      %dma_wait3A_228 = tpu.memref_slice %arg5[%dma_wait3A_220, %dma_wait3A_227] : memref<4x128xi32, #tpu.memory_space<vmem>> -> memref<1x128xi32, #tpu.memory_space<vmem>>
      %dma_wait3A_229 = tpu.memref_squeeze %dma_wait3A_228 : memref<1x128xi32, #tpu.memory_space<vmem>> -> memref<128xi32, #tpu.memory_space<vmem>>
      %dma_wait3A_230 = arith.constant 0 : i32
      %dma_wait3A_231 = tpu.memref_slice %arg3[%dma_wait3A_219, %dma_wait3A_230] : memref<2x320000xi32, #tpu.memory_space<hbm>> -> memref<1x128xi32, #tpu.memory_space<hbm>>
      %dma_wait3A_232 = tpu.memref_squeeze %dma_wait3A_231 : memref<1x128xi32, #tpu.memory_space<hbm>> -> memref<128xi32, #tpu.memory_space<hbm>>
      tpu.wait_dma2 semaphore(%arg22 : memref<!tpu.dma_semaphore, #tpu.memory_space<semaphore_mem>>) src(%dma_wait3A_232 : memref<128xi32, #tpu.memory_space<hbm>>) dst(%dma_wait3A_229 : memref<128xi32, #tpu.memory_space<vmem>>)
      %dma_wait3A_233 = arith.constant 0 : i32
      %dma_wait3A_234 = arith.constant 0 : i32
      %dma_wait3A_235 = arith.constant 0 : i32
      %dma_wait3A_236 = tpu.memref_slice %arg5[%dma_wait3A_234, %dma_wait3A_235] : memref<4x128xi32, #tpu.memory_space<vmem>> -> memref<1x128xi32, #tpu.memory_space<vmem>>
      %dma_wait3A_237 = tpu.memref_squeeze %dma_wait3A_236 : memref<1x128xi32, #tpu.memory_space<vmem>> -> memref<128xi32, #tpu.memory_space<vmem>>
      %dma_wait3A_238 = arith.constant 0 : i32
      %dma_wait3A_239 = tpu.memref_slice %arg3[%dma_wait3A_233, %dma_wait3A_238] : memref<2x320000xi32, #tpu.memory_space<hbm>> -> memref<1x128xi32, #tpu.memory_space<hbm>>
      %dma_wait3A_240 = tpu.memref_squeeze %dma_wait3A_239 : memref<1x128xi32, #tpu.memory_space<hbm>> -> memref<128xi32, #tpu.memory_space<hbm>>
      %dma_wait3A_241 = arith.constant 0 : i32
      %dma_wait3A_242 = tpu.memref_slice %arg5[%dma_wait3A_234, %dma_wait3A_241] : memref<4x128xi32, #tpu.memory_space<vmem>> -> memref<1x128xi32, #tpu.memory_space<vmem>>
      %dma_wait3A_243 = tpu.memref_squeeze %dma_wait3A_242 : memref<1x128xi32, #tpu.memory_space<vmem>> -> memref<128xi32, #tpu.memory_space<vmem>>
      %dma_wait3A_244 = arith.constant 0 : i32
      %dma_wait3A_245 = tpu.memref_slice %arg3[%dma_wait3A_233, %dma_wait3A_244] : memref<2x320000xi32, #tpu.memory_space<hbm>> -> memref<1x128xi32, #tpu.memory_space<hbm>>
      %dma_wait3A_246 = tpu.memref_squeeze %dma_wait3A_245 : memref<1x128xi32, #tpu.memory_space<hbm>> -> memref<128xi32, #tpu.memory_space<hbm>>
      tpu.wait_dma2 semaphore(%arg22 : memref<!tpu.dma_semaphore, #tpu.memory_space<semaphore_mem>>) src(%dma_wait3A_246 : memref<128xi32, #tpu.memory_space<hbm>>) dst(%dma_wait3A_243 : memref<128xi32, #tpu.memory_space<vmem>>)
      %dma_wait3A_247 = arith.constant 0 : i32
      %dma_wait3A_248 = arith.constant 0 : i32
      %dma_wait3A_249 = arith.constant 0 : i32
      %dma_wait3A_250 = tpu.memref_slice %arg5[%dma_wait3A_248, %dma_wait3A_249] : memref<4x128xi32, #tpu.memory_space<vmem>> -> memref<1x128xi32, #tpu.memory_space<vmem>>
      %dma_wait3A_251 = tpu.memref_squeeze %dma_wait3A_250 : memref<1x128xi32, #tpu.memory_space<vmem>> -> memref<128xi32, #tpu.memory_space<vmem>>
      %dma_wait3A_252 = arith.constant 0 : i32
      %dma_wait3A_253 = tpu.memref_slice %arg3[%dma_wait3A_247, %dma_wait3A_252] : memref<2x320000xi32, #tpu.memory_space<hbm>> -> memref<1x128xi32, #tpu.memory_space<hbm>>
      %dma_wait3A_254 = tpu.memref_squeeze %dma_wait3A_253 : memref<1x128xi32, #tpu.memory_space<hbm>> -> memref<128xi32, #tpu.memory_space<hbm>>
      %dma_wait3A_255 = arith.constant 0 : i32
      %dma_wait3A_256 = tpu.memref_slice %arg5[%dma_wait3A_248, %dma_wait3A_255] : memref<4x128xi32, #tpu.memory_space<vmem>> -> memref<1x128xi32, #tpu.memory_space<vmem>>
      %dma_wait3A_257 = tpu.memref_squeeze %dma_wait3A_256 : memref<1x128xi32, #tpu.memory_space<vmem>> -> memref<128xi32, #tpu.memory_space<vmem>>
      %dma_wait3A_258 = arith.constant 0 : i32
      %dma_wait3A_259 = tpu.memref_slice %arg3[%dma_wait3A_247, %dma_wait3A_258] : memref<2x320000xi32, #tpu.memory_space<hbm>> -> memref<1x128xi32, #tpu.memory_space<hbm>>
      %dma_wait3A_260 = tpu.memref_squeeze %dma_wait3A_259 : memref<1x128xi32, #tpu.memory_space<hbm>> -> memref<128xi32, #tpu.memory_space<hbm>>
      tpu.wait_dma2 semaphore(%arg22 : memref<!tpu.dma_semaphore, #tpu.memory_space<semaphore_mem>>) src(%dma_wait3A_260 : memref<128xi32, #tpu.memory_space<hbm>>) dst(%dma_wait3A_257 : memref<128xi32, #tpu.memory_space<vmem>>)
      %dma_wait3A_261 = arith.constant 0 : i32
      %dma_wait3A_262 = arith.constant 0 : i32
      %dma_wait3A_263 = arith.constant 0 : i32
      %dma_wait3A_264 = tpu.memref_slice %arg5[%dma_wait3A_262, %dma_wait3A_263] : memref<4x128xi32, #tpu.memory_space<vmem>> -> memref<1x128xi32, #tpu.memory_space<vmem>>
      %dma_wait3A_265 = tpu.memref_squeeze %dma_wait3A_264 : memref<1x128xi32, #tpu.memory_space<vmem>> -> memref<128xi32, #tpu.memory_space<vmem>>
      %dma_wait3A_266 = arith.constant 0 : i32
      %dma_wait3A_267 = tpu.memref_slice %arg3[%dma_wait3A_261, %dma_wait3A_266] : memref<2x320000xi32, #tpu.memory_space<hbm>> -> memref<1x128xi32, #tpu.memory_space<hbm>>
      %dma_wait3A_268 = tpu.memref_squeeze %dma_wait3A_267 : memref<1x128xi32, #tpu.memory_space<hbm>> -> memref<128xi32, #tpu.memory_space<hbm>>
      %dma_wait3A_269 = arith.constant 0 : i32
      %dma_wait3A_270 = tpu.memref_slice %arg5[%dma_wait3A_262, %dma_wait3A_269] : memref<4x128xi32, #tpu.memory_space<vmem>> -> memref<1x128xi32, #tpu.memory_space<vmem>>
      %dma_wait3A_271 = tpu.memref_squeeze %dma_wait3A_270 : memref<1x128xi32, #tpu.memory_space<vmem>> -> memref<128xi32, #tpu.memory_space<vmem>>
      %dma_wait3A_272 = arith.constant 0 : i32
      %dma_wait3A_273 = tpu.memref_slice %arg3[%dma_wait3A_261, %dma_wait3A_272] : memref<2x320000xi32, #tpu.memory_space<hbm>> -> memref<1x128xi32, #tpu.memory_space<hbm>>
      %dma_wait3A_274 = tpu.memref_squeeze %dma_wait3A_273 : memref<1x128xi32, #tpu.memory_space<hbm>> -> memref<128xi32, #tpu.memory_space<hbm>>
      tpu.wait_dma2 semaphore(%arg22 : memref<!tpu.dma_semaphore, #tpu.memory_space<semaphore_mem>>) src(%dma_wait3A_274 : memref<128xi32, #tpu.memory_space<hbm>>) dst(%dma_wait3A_271 : memref<128xi32, #tpu.memory_space<vmem>>)
      %dma_start3A_275 = arith.constant 2 : i32
      %dma_start3A_276 = arith.constant 0 : i32
      %dma_start3A_277 = tpu.memref_slice %arg5[%dma_start3A_275, %dma_start3A_276] : memref<4x128xi32, #tpu.memory_space<vmem>> -> memref<1x128xi32, #tpu.memory_space<vmem>>
      %dma_start3A_278 = tpu.memref_squeeze %dma_start3A_277 : memref<1x128xi32, #tpu.memory_space<vmem>> -> memref<128xi32, #tpu.memory_space<vmem>>
      %dma_start3A_279 = arith.constant 0 : i32
      %dma_start3A_280 = arith.constant 0 : i32
      %dma_start3A_281 = tpu.memref_slice %arg11[%dma_start3A_279, %dma_start3A_280] : memref<10240x64xf32, #tpu.memory_space<vmem_shared>> -> memref<10240x64xf32, #tpu.memory_space<vmem_shared>>
      tpu.enqueue_indirect_dma source(%dma_start3A_281 : memref<10240x64xf32, #tpu.memory_space<vmem_shared>>) target(%arg9 : memref<128x64xf32, #tpu.memory_space<vmem>>) offsets(%dma_start3A_278 : memref<128xi32, #tpu.memory_space<vmem>>) semaphore(%arg15 : memref<!tpu.dma_semaphore, #tpu.memory_space<semaphore_mem>>)
      %dma_start3A_282 = arith.constant 3 : i32
      %dma_start3A_283 = arith.constant 0 : i32
      %dma_start3A_284 = tpu.memref_slice %arg5[%dma_start3A_282, %dma_start3A_283] : memref<4x128xi32, #tpu.memory_space<vmem>> -> memref<1x128xi32, #tpu.memory_space<vmem>>
      %dma_start3A_285 = tpu.memref_squeeze %dma_start3A_284 : memref<1x128xi32, #tpu.memory_space<vmem>> -> memref<128xi32, #tpu.memory_space<vmem>>
      %dma_start3A_286 = arith.constant 0 : i32
      %dma_start3A_287 = arith.constant 0 : i32
      %dma_start3A_288 = tpu.memref_slice %arg11[%dma_start3A_286, %dma_start3A_287] : memref<10240x64xf32, #tpu.memory_space<vmem_shared>> -> memref<10240x64xf32, #tpu.memory_space<vmem_shared>>
      tpu.enqueue_indirect_dma source(%dma_start3A_288 : memref<10240x64xf32, #tpu.memory_space<vmem_shared>>) target(%arg10 : memref<128x64xf32, #tpu.memory_space<vmem>>) offsets(%dma_start3A_285 : memref<128xi32, #tpu.memory_space<vmem>>) semaphore(%arg16 : memref<!tpu.dma_semaphore, #tpu.memory_space<semaphore_mem>>)
      %dma_wait3A_289 = arith.constant 0 : i32
      %dma_wait3A_290 = arith.constant 0 : i32
      %dma_wait3A_291 = tpu.memref_slice %arg5[%dma_wait3A_289, %dma_wait3A_290] : memref<4x128xi32, #tpu.memory_space<vmem>> -> memref<1x128xi32, #tpu.memory_space<vmem>>
      %dma_wait3A_292 = tpu.memref_squeeze %dma_wait3A_291 : memref<1x128xi32, #tpu.memory_space<vmem>> -> memref<128xi32, #tpu.memory_space<vmem>>
      %dma_wait3A_293 = arith.constant 0 : i32
      %dma_wait3A_294 = arith.constant 0 : i32
      %dma_wait3A_295 = tpu.memref_slice %arg11[%dma_wait3A_293, %dma_wait3A_294] : memref<10240x64xf32, #tpu.memory_space<vmem_shared>> -> memref<10240x64xf32, #tpu.memory_space<vmem_shared>>
      tpu.wait_indirect_dma semaphore(%arg13 : memref<!tpu.dma_semaphore, #tpu.memory_space<semaphore_mem>>) src(%dma_wait3A_295 : memref<10240x64xf32, #tpu.memory_space<vmem_shared>>) dst(%arg7 : memref<128x64xf32, #tpu.memory_space<vmem>>)
      %dma_start3A_296 = arith.constant 0 : i32
      %dma_start3A_297 = arith.constant 0 : i32
      %dma_start3A_298 = tpu.memref_slice %arg6[%dma_start3A_296, %dma_start3A_297] : memref<4x128xi32, #tpu.memory_space<vmem>> -> memref<1x128xi32, #tpu.memory_space<vmem>>
      %dma_start3A_299 = tpu.memref_squeeze %dma_start3A_298 : memref<1x128xi32, #tpu.memory_space<vmem>> -> memref<128xi32, #tpu.memory_space<vmem>>
      %dma_start3A_300 = arith.constant 0 : i32
      %dma_start3A_301 = arith.constant 0 : i32
      %dma_start3A_302 = tpu.memref_slice %arg12[%dma_start3A_300, %dma_start3A_301] : memref<10240x64xf32, #tpu.memory_space<vmem_shared>> -> memref<10240x64xf32, #tpu.memory_space<vmem_shared>>
      tpu.enqueue_indirect_dma source(%arg7 : memref<128x64xf32, #tpu.memory_space<vmem>>) target(%dma_start3A_302 : memref<10240x64xf32, #tpu.memory_space<vmem_shared>>) offsets(%dma_start3A_299 : memref<128xi32, #tpu.memory_space<vmem>>) semaphore(%arg17 : memref<!tpu.dma_semaphore, #tpu.memory_space<semaphore_mem>>) {add = true}
      %dma_wait3A_303 = arith.constant 0 : i32
      %dma_wait3A_304 = arith.constant 0 : i32
      %dma_wait3A_305 = tpu.memref_slice %arg5[%dma_wait3A_303, %dma_wait3A_304] : memref<4x128xi32, #tpu.memory_space<vmem>> -> memref<1x128xi32, #tpu.memory_space<vmem>>
      %dma_wait3A_306 = tpu.memref_squeeze %dma_wait3A_305 : memref<1x128xi32, #tpu.memory_space<vmem>> -> memref<128xi32, #tpu.memory_space<vmem>>
      %dma_wait3A_307 = arith.constant 0 : i32
      %dma_wait3A_308 = arith.constant 0 : i32
      %dma_wait3A_309 = tpu.memref_slice %arg11[%dma_wait3A_307, %dma_wait3A_308] : memref<10240x64xf32, #tpu.memory_space<vmem_shared>> -> memref<10240x64xf32, #tpu.memory_space<vmem_shared>>
      tpu.wait_indirect_dma semaphore(%arg14 : memref<!tpu.dma_semaphore, #tpu.memory_space<semaphore_mem>>) src(%dma_wait3A_309 : memref<10240x64xf32, #tpu.memory_space<vmem_shared>>) dst(%arg8 : memref<128x64xf32, #tpu.memory_space<vmem>>)
      %dma_start3A_310 = arith.constant 1 : i32
      %dma_start3A_311 = arith.constant 0 : i32
      %dma_start3A_312 = tpu.memref_slice %arg6[%dma_start3A_310, %dma_start3A_311] : memref<4x128xi32, #tpu.memory_space<vmem>> -> memref<1x128xi32, #tpu.memory_space<vmem>>
      %dma_start3A_313 = tpu.memref_squeeze %dma_start3A_312 : memref<1x128xi32, #tpu.memory_space<vmem>> -> memref<128xi32, #tpu.memory_space<vmem>>
      %dma_start3A_314 = arith.constant 0 : i32
      %dma_start3A_315 = arith.constant 0 : i32
      %dma_start3A_316 = tpu.memref_slice %arg12[%dma_start3A_314, %dma_start3A_315] : memref<10240x64xf32, #tpu.memory_space<vmem_shared>> -> memref<10240x64xf32, #tpu.memory_space<vmem_shared>>
      tpu.enqueue_indirect_dma source(%arg8 : memref<128x64xf32, #tpu.memory_space<vmem>>) target(%dma_start3A_316 : memref<10240x64xf32, #tpu.memory_space<vmem_shared>>) offsets(%dma_start3A_313 : memref<128xi32, #tpu.memory_space<vmem>>) semaphore(%arg18 : memref<!tpu.dma_semaphore, #tpu.memory_space<semaphore_mem>>) {add = true}
      %dma_wait3A_317 = arith.constant 0 : i32
      %dma_wait3A_318 = arith.constant 0 : i32
      %dma_wait3A_319 = tpu.memref_slice %arg5[%dma_wait3A_317, %dma_wait3A_318] : memref<4x128xi32, #tpu.memory_space<vmem>> -> memref<1x128xi32, #tpu.memory_space<vmem>>
      %dma_wait3A_320 = tpu.memref_squeeze %dma_wait3A_319 : memref<1x128xi32, #tpu.memory_space<vmem>> -> memref<128xi32, #tpu.memory_space<vmem>>
      %dma_wait3A_321 = arith.constant 0 : i32
      %dma_wait3A_322 = arith.constant 0 : i32
      %dma_wait3A_323 = tpu.memref_slice %arg11[%dma_wait3A_321, %dma_wait3A_322] : memref<10240x64xf32, #tpu.memory_space<vmem_shared>> -> memref<10240x64xf32, #tpu.memory_space<vmem_shared>>
      tpu.wait_indirect_dma semaphore(%arg15 : memref<!tpu.dma_semaphore, #tpu.memory_space<semaphore_mem>>) src(%dma_wait3A_323 : memref<10240x64xf32, #tpu.memory_space<vmem_shared>>) dst(%arg9 : memref<128x64xf32, #tpu.memory_space<vmem>>)
      %dma_start3A_324 = arith.constant 2 : i32
      %dma_start3A_325 = arith.constant 0 : i32
      %dma_start3A_326 = tpu.memref_slice %arg6[%dma_start3A_324, %dma_start3A_325] : memref<4x128xi32, #tpu.memory_space<vmem>> -> memref<1x128xi32, #tpu.memory_space<vmem>>
      %dma_start3A_327 = tpu.memref_squeeze %dma_start3A_326 : memref<1x128xi32, #tpu.memory_space<vmem>> -> memref<128xi32, #tpu.memory_space<vmem>>
      %dma_start3A_328 = arith.constant 0 : i32
      %dma_start3A_329 = arith.constant 0 : i32
      %dma_start3A_330 = tpu.memref_slice %arg12[%dma_start3A_328, %dma_start3A_329] : memref<10240x64xf32, #tpu.memory_space<vmem_shared>> -> memref<10240x64xf32, #tpu.memory_space<vmem_shared>>
      tpu.enqueue_indirect_dma source(%arg9 : memref<128x64xf32, #tpu.memory_space<vmem>>) target(%dma_start3A_330 : memref<10240x64xf32, #tpu.memory_space<vmem_shared>>) offsets(%dma_start3A_327 : memref<128xi32, #tpu.memory_space<vmem>>) semaphore(%arg19 : memref<!tpu.dma_semaphore, #tpu.memory_space<semaphore_mem>>) {add = true}
      %dma_wait3A_331 = arith.constant 0 : i32
      %dma_wait3A_332 = arith.constant 0 : i32
      %dma_wait3A_333 = tpu.memref_slice %arg5[%dma_wait3A_331, %dma_wait3A_332] : memref<4x128xi32, #tpu.memory_space<vmem>> -> memref<1x128xi32, #tpu.memory_space<vmem>>
      %dma_wait3A_334 = tpu.memref_squeeze %dma_wait3A_333 : memref<1x128xi32, #tpu.memory_space<vmem>> -> memref<128xi32, #tpu.memory_space<vmem>>
      %dma_wait3A_335 = arith.constant 0 : i32
      %dma_wait3A_336 = arith.constant 0 : i32
      %dma_wait3A_337 = tpu.memref_slice %arg11[%dma_wait3A_335, %dma_wait3A_336] : memref<10240x64xf32, #tpu.memory_space<vmem_shared>> -> memref<10240x64xf32, #tpu.memory_space<vmem_shared>>
      tpu.wait_indirect_dma semaphore(%arg16 : memref<!tpu.dma_semaphore, #tpu.memory_space<semaphore_mem>>) src(%dma_wait3A_337 : memref<10240x64xf32, #tpu.memory_space<vmem_shared>>) dst(%arg10 : memref<128x64xf32, #tpu.memory_space<vmem>>)
      %dma_start3A_338 = arith.constant 3 : i32
      %dma_start3A_339 = arith.constant 0 : i32
      %dma_start3A_340 = tpu.memref_slice %arg6[%dma_start3A_338, %dma_start3A_339] : memref<4x128xi32, #tpu.memory_space<vmem>> -> memref<1x128xi32, #tpu.memory_space<vmem>>
      %dma_start3A_341 = tpu.memref_squeeze %dma_start3A_340 : memref<1x128xi32, #tpu.memory_space<vmem>> -> memref<128xi32, #tpu.memory_space<vmem>>
      %dma_start3A_342 = arith.constant 0 : i32
      %dma_start3A_343 = arith.constant 0 : i32
      %dma_start3A_344 = tpu.memref_slice %arg12[%dma_start3A_342, %dma_start3A_343] : memref<10240x64xf32, #tpu.memory_space<vmem_shared>> -> memref<10240x64xf32, #tpu.memory_space<vmem_shared>>
      tpu.enqueue_indirect_dma source(%arg10 : memref<128x64xf32, #tpu.memory_space<vmem>>) target(%dma_start3A_344 : memref<10240x64xf32, #tpu.memory_space<vmem_shared>>) offsets(%dma_start3A_341 : memref<128xi32, #tpu.memory_space<vmem>>) semaphore(%arg20 : memref<!tpu.dma_semaphore, #tpu.memory_space<semaphore_mem>>) {add = true}
      %dma_wait3A_345 = arith.constant 0 : i32
      %dma_wait3A_346 = arith.constant 0 : i32
      %dma_wait3A_347 = tpu.memref_slice %arg6[%dma_wait3A_345, %dma_wait3A_346] : memref<4x128xi32, #tpu.memory_space<vmem>> -> memref<1x128xi32, #tpu.memory_space<vmem>>
      %dma_wait3A_348 = tpu.memref_squeeze %dma_wait3A_347 : memref<1x128xi32, #tpu.memory_space<vmem>> -> memref<128xi32, #tpu.memory_space<vmem>>
      %dma_wait3A_349 = arith.constant 0 : i32
      %dma_wait3A_350 = arith.constant 0 : i32
      %dma_wait3A_351 = tpu.memref_slice %arg12[%dma_wait3A_349, %dma_wait3A_350] : memref<10240x64xf32, #tpu.memory_space<vmem_shared>> -> memref<10240x64xf32, #tpu.memory_space<vmem_shared>>
      tpu.wait_indirect_dma semaphore(%arg17 : memref<!tpu.dma_semaphore, #tpu.memory_space<semaphore_mem>>) src(%arg7 : memref<128x64xf32, #tpu.memory_space<vmem>>) dst(%dma_wait3A_351 : memref<10240x64xf32, #tpu.memory_space<vmem_shared>>)
      %dma_wait3A_352 = arith.constant 0 : i32
      %dma_wait3A_353 = arith.constant 0 : i32
      %dma_wait3A_354 = tpu.memref_slice %arg6[%dma_wait3A_352, %dma_wait3A_353] : memref<4x128xi32, #tpu.memory_space<vmem>> -> memref<1x128xi32, #tpu.memory_space<vmem>>
      %dma_wait3A_355 = tpu.memref_squeeze %dma_wait3A_354 : memref<1x128xi32, #tpu.memory_space<vmem>> -> memref<128xi32, #tpu.memory_space<vmem>>
      %dma_wait3A_356 = arith.constant 0 : i32
      %dma_wait3A_357 = arith.constant 0 : i32
      %dma_wait3A_358 = tpu.memref_slice %arg12[%dma_wait3A_356, %dma_wait3A_357] : memref<10240x64xf32, #tpu.memory_space<vmem_shared>> -> memref<10240x64xf32, #tpu.memory_space<vmem_shared>>
      tpu.wait_indirect_dma semaphore(%arg18 : memref<!tpu.dma_semaphore, #tpu.memory_space<semaphore_mem>>) src(%arg8 : memref<128x64xf32, #tpu.memory_space<vmem>>) dst(%dma_wait3A_358 : memref<10240x64xf32, #tpu.memory_space<vmem_shared>>)
      %add3A_359 = arith.constant 4 : i32
      %add3A_360 = arith.addi %mul3A_149, %add3A_359 : i32
      %lt3A_361 = arith.cmpi slt, %add3A_360, %add3A_3 : i32
      %convert_element_type3A_362 = arith.extui %lt3A_361 : i1 to i32
      %cond3A_363 = arith.constant 0 : i32
      %cond3A_364 = arith.cmpi ne, %convert_element_type3A_362, %cond3A_363 : i32
      scf.if %cond3A_364 {
        %add3A_397 = arith.constant 4 : i32
        %add3A_398 = arith.addi %mul3A_149, %add3A_397 : i32
        %add3A_399 = arith.addi %add3A_7, %add3A_398 : i32
        %mul3A_400 = arith.constant 128 : i32
        %mul3A_401 = arith.muli %add3A_399, %mul3A_400 : i32
        %dma_start3A_402 = arith.constant 0 : i32
        %dma_start3A_403 = arith.constant 0 : i32
        %dma_start3A_404 = arith.constant 0 : i32
        %dma_start3A_405 = tpu.memref_slice %arg5[%dma_start3A_403, %dma_start3A_404] : memref<4x128xi32, #tpu.memory_space<vmem>> -> memref<1x128xi32, #tpu.memory_space<vmem>>
        %dma_start3A_406 = tpu.memref_squeeze %dma_start3A_405 : memref<1x128xi32, #tpu.memory_space<vmem>> -> memref<128xi32, #tpu.memory_space<vmem>>
        %dma_start3A_407 = tpu.memref_slice %arg3[%dma_start3A_402, %mul3A_401] : memref<2x320000xi32, #tpu.memory_space<hbm>> -> memref<1x128xi32, #tpu.memory_space<hbm>>
        %dma_start3A_408 = tpu.memref_squeeze %dma_start3A_407 : memref<1x128xi32, #tpu.memory_space<hbm>> -> memref<128xi32, #tpu.memory_space<hbm>>
        %dma_start3A_409 = arith.constant 0 : i32
        %dma_start3A_410 = tpu.memref_slice %arg5[%dma_start3A_403, %dma_start3A_409] : memref<4x128xi32, #tpu.memory_space<vmem>> -> memref<1x128xi32, #tpu.memory_space<vmem>>
        %dma_start3A_411 = tpu.memref_squeeze %dma_start3A_410 : memref<1x128xi32, #tpu.memory_space<vmem>> -> memref<128xi32, #tpu.memory_space<vmem>>
        %dma_start3A_412 = tpu.memref_slice %arg3[%dma_start3A_402, %mul3A_401] : memref<2x320000xi32, #tpu.memory_space<hbm>> -> memref<1x128xi32, #tpu.memory_space<hbm>>
        %dma_start3A_413 = tpu.memref_squeeze %dma_start3A_412 : memref<1x128xi32, #tpu.memory_space<hbm>> -> memref<128xi32, #tpu.memory_space<hbm>>
        tpu.enqueue_dma source(%dma_start3A_413 : memref<128xi32, #tpu.memory_space<hbm>>) target(%dma_start3A_411 : memref<128xi32, #tpu.memory_space<vmem>>) target_semaphore(%arg21 : memref<!tpu.dma_semaphore, #tpu.memory_space<semaphore_mem>>)
        %dma_start3A_414 = arith.constant 1 : i32
        %dma_start3A_415 = arith.constant 0 : i32
        %dma_start3A_416 = arith.constant 0 : i32
        %dma_start3A_417 = tpu.memref_slice %arg6[%dma_start3A_415, %dma_start3A_416] : memref<4x128xi32, #tpu.memory_space<vmem>> -> memref<1x128xi32, #tpu.memory_space<vmem>>
        %dma_start3A_418 = tpu.memref_squeeze %dma_start3A_417 : memref<1x128xi32, #tpu.memory_space<vmem>> -> memref<128xi32, #tpu.memory_space<vmem>>
        %dma_start3A_419 = tpu.memref_slice %arg3[%dma_start3A_414, %mul3A_401] : memref<2x320000xi32, #tpu.memory_space<hbm>> -> memref<1x128xi32, #tpu.memory_space<hbm>>
        %dma_start3A_420 = tpu.memref_squeeze %dma_start3A_419 : memref<1x128xi32, #tpu.memory_space<hbm>> -> memref<128xi32, #tpu.memory_space<hbm>>
        %dma_start3A_421 = arith.constant 0 : i32
        %dma_start3A_422 = tpu.memref_slice %arg6[%dma_start3A_415, %dma_start3A_421] : memref<4x128xi32, #tpu.memory_space<vmem>> -> memref<1x128xi32, #tpu.memory_space<vmem>>
        %dma_start3A_423 = tpu.memref_squeeze %dma_start3A_422 : memref<1x128xi32, #tpu.memory_space<vmem>> -> memref<128xi32, #tpu.memory_space<vmem>>
        %dma_start3A_424 = tpu.memref_slice %arg3[%dma_start3A_414, %mul3A_401] : memref<2x320000xi32, #tpu.memory_space<hbm>> -> memref<1x128xi32, #tpu.memory_space<hbm>>
        %dma_start3A_425 = tpu.memref_squeeze %dma_start3A_424 : memref<1x128xi32, #tpu.memory_space<hbm>> -> memref<128xi32, #tpu.memory_space<hbm>>
        tpu.enqueue_dma source(%dma_start3A_425 : memref<128xi32, #tpu.memory_space<hbm>>) target(%dma_start3A_423 : memref<128xi32, #tpu.memory_space<vmem>>) target_semaphore(%arg21 : memref<!tpu.dma_semaphore, #tpu.memory_space<semaphore_mem>>)
      } else {
      }
      %add3A_365 = arith.constant 5 : i32
      %add3A_366 = arith.addi %mul3A_149, %add3A_365 : i32
      %lt3A_367 = arith.cmpi slt, %add3A_366, %add3A_3 : i32
      %convert_element_type3A_368 = arith.extui %lt3A_367 : i1 to i32
      %cond3A_369 = arith.constant 0 : i32
      %cond3A_370 = arith.cmpi ne, %convert_element_type3A_368, %cond3A_369 : i32
      scf.if %cond3A_370 {
        %add3A_397 = arith.constant 5 : i32
        %add3A_398 = arith.addi %mul3A_149, %add3A_397 : i32
        %add3A_399 = arith.addi %add3A_7, %add3A_398 : i32
        %mul3A_400 = arith.constant 128 : i32
        %mul3A_401 = arith.muli %add3A_399, %mul3A_400 : i32
        %dma_start3A_402 = arith.constant 0 : i32
        %dma_start3A_403 = arith.constant 1 : i32
        %dma_start3A_404 = arith.constant 0 : i32
        %dma_start3A_405 = tpu.memref_slice %arg5[%dma_start3A_403, %dma_start3A_404] : memref<4x128xi32, #tpu.memory_space<vmem>> -> memref<1x128xi32, #tpu.memory_space<vmem>>
        %dma_start3A_406 = tpu.memref_squeeze %dma_start3A_405 : memref<1x128xi32, #tpu.memory_space<vmem>> -> memref<128xi32, #tpu.memory_space<vmem>>
        %dma_start3A_407 = tpu.memref_slice %arg3[%dma_start3A_402, %mul3A_401] : memref<2x320000xi32, #tpu.memory_space<hbm>> -> memref<1x128xi32, #tpu.memory_space<hbm>>
        %dma_start3A_408 = tpu.memref_squeeze %dma_start3A_407 : memref<1x128xi32, #tpu.memory_space<hbm>> -> memref<128xi32, #tpu.memory_space<hbm>>
        %dma_start3A_409 = arith.constant 0 : i32
        %dma_start3A_410 = tpu.memref_slice %arg5[%dma_start3A_403, %dma_start3A_409] : memref<4x128xi32, #tpu.memory_space<vmem>> -> memref<1x128xi32, #tpu.memory_space<vmem>>
        %dma_start3A_411 = tpu.memref_squeeze %dma_start3A_410 : memref<1x128xi32, #tpu.memory_space<vmem>> -> memref<128xi32, #tpu.memory_space<vmem>>
        %dma_start3A_412 = tpu.memref_slice %arg3[%dma_start3A_402, %mul3A_401] : memref<2x320000xi32, #tpu.memory_space<hbm>> -> memref<1x128xi32, #tpu.memory_space<hbm>>
        %dma_start3A_413 = tpu.memref_squeeze %dma_start3A_412 : memref<1x128xi32, #tpu.memory_space<hbm>> -> memref<128xi32, #tpu.memory_space<hbm>>
        tpu.enqueue_dma source(%dma_start3A_413 : memref<128xi32, #tpu.memory_space<hbm>>) target(%dma_start3A_411 : memref<128xi32, #tpu.memory_space<vmem>>) target_semaphore(%arg21 : memref<!tpu.dma_semaphore, #tpu.memory_space<semaphore_mem>>)
        %dma_start3A_414 = arith.constant 1 : i32
        %dma_start3A_415 = arith.constant 1 : i32
        %dma_start3A_416 = arith.constant 0 : i32
        %dma_start3A_417 = tpu.memref_slice %arg6[%dma_start3A_415, %dma_start3A_416] : memref<4x128xi32, #tpu.memory_space<vmem>> -> memref<1x128xi32, #tpu.memory_space<vmem>>
        %dma_start3A_418 = tpu.memref_squeeze %dma_start3A_417 : memref<1x128xi32, #tpu.memory_space<vmem>> -> memref<128xi32, #tpu.memory_space<vmem>>
        %dma_start3A_419 = tpu.memref_slice %arg3[%dma_start3A_414, %mul3A_401] : memref<2x320000xi32, #tpu.memory_space<hbm>> -> memref<1x128xi32, #tpu.memory_space<hbm>>
        %dma_start3A_420 = tpu.memref_squeeze %dma_start3A_419 : memref<1x128xi32, #tpu.memory_space<hbm>> -> memref<128xi32, #tpu.memory_space<hbm>>
        %dma_start3A_421 = arith.constant 0 : i32
        %dma_start3A_422 = tpu.memref_slice %arg6[%dma_start3A_415, %dma_start3A_421] : memref<4x128xi32, #tpu.memory_space<vmem>> -> memref<1x128xi32, #tpu.memory_space<vmem>>
        %dma_start3A_423 = tpu.memref_squeeze %dma_start3A_422 : memref<1x128xi32, #tpu.memory_space<vmem>> -> memref<128xi32, #tpu.memory_space<vmem>>
        %dma_start3A_424 = tpu.memref_slice %arg3[%dma_start3A_414, %mul3A_401] : memref<2x320000xi32, #tpu.memory_space<hbm>> -> memref<1x128xi32, #tpu.memory_space<hbm>>
        %dma_start3A_425 = tpu.memref_squeeze %dma_start3A_424 : memref<1x128xi32, #tpu.memory_space<hbm>> -> memref<128xi32, #tpu.memory_space<hbm>>
        tpu.enqueue_dma source(%dma_start3A_425 : memref<128xi32, #tpu.memory_space<hbm>>) target(%dma_start3A_423 : memref<128xi32, #tpu.memory_space<vmem>>) target_semaphore(%arg21 : memref<!tpu.dma_semaphore, #tpu.memory_space<semaphore_mem>>)
      } else {
      }
      %dma_wait3A_371 = arith.constant 0 : i32
      %dma_wait3A_372 = arith.constant 0 : i32
      %dma_wait3A_373 = tpu.memref_slice %arg6[%dma_wait3A_371, %dma_wait3A_372] : memref<4x128xi32, #tpu.memory_space<vmem>> -> memref<1x128xi32, #tpu.memory_space<vmem>>
      %dma_wait3A_374 = tpu.memref_squeeze %dma_wait3A_373 : memref<1x128xi32, #tpu.memory_space<vmem>> -> memref<128xi32, #tpu.memory_space<vmem>>
      %dma_wait3A_375 = arith.constant 0 : i32
      %dma_wait3A_376 = arith.constant 0 : i32
      %dma_wait3A_377 = tpu.memref_slice %arg12[%dma_wait3A_375, %dma_wait3A_376] : memref<10240x64xf32, #tpu.memory_space<vmem_shared>> -> memref<10240x64xf32, #tpu.memory_space<vmem_shared>>
      tpu.wait_indirect_dma semaphore(%arg19 : memref<!tpu.dma_semaphore, #tpu.memory_space<semaphore_mem>>) src(%arg9 : memref<128x64xf32, #tpu.memory_space<vmem>>) dst(%dma_wait3A_377 : memref<10240x64xf32, #tpu.memory_space<vmem_shared>>)
      %dma_wait3A_378 = arith.constant 0 : i32
      %dma_wait3A_379 = arith.constant 0 : i32
      %dma_wait3A_380 = tpu.memref_slice %arg6[%dma_wait3A_378, %dma_wait3A_379] : memref<4x128xi32, #tpu.memory_space<vmem>> -> memref<1x128xi32, #tpu.memory_space<vmem>>
      %dma_wait3A_381 = tpu.memref_squeeze %dma_wait3A_380 : memref<1x128xi32, #tpu.memory_space<vmem>> -> memref<128xi32, #tpu.memory_space<vmem>>
      %dma_wait3A_382 = arith.constant 0 : i32
      %dma_wait3A_383 = arith.constant 0 : i32
      %dma_wait3A_384 = tpu.memref_slice %arg12[%dma_wait3A_382, %dma_wait3A_383] : memref<10240x64xf32, #tpu.memory_space<vmem_shared>> -> memref<10240x64xf32, #tpu.memory_space<vmem_shared>>
      tpu.wait_indirect_dma semaphore(%arg20 : memref<!tpu.dma_semaphore, #tpu.memory_space<semaphore_mem>>) src(%arg10 : memref<128x64xf32, #tpu.memory_space<vmem>>) dst(%dma_wait3A_384 : memref<10240x64xf32, #tpu.memory_space<vmem_shared>>)
      %add3A_385 = arith.constant 6 : i32
      %add3A_386 = arith.addi %mul3A_149, %add3A_385 : i32
      %lt3A_387 = arith.cmpi slt, %add3A_386, %add3A_3 : i32
      %convert_element_type3A_388 = arith.extui %lt3A_387 : i1 to i32
      %cond3A_389 = arith.constant 0 : i32
      %cond3A_390 = arith.cmpi ne, %convert_element_type3A_388, %cond3A_389 : i32
      scf.if %cond3A_390 {
        %add3A_397 = arith.constant 6 : i32
        %add3A_398 = arith.addi %mul3A_149, %add3A_397 : i32
        %add3A_399 = arith.addi %add3A_7, %add3A_398 : i32
        %mul3A_400 = arith.constant 128 : i32
        %mul3A_401 = arith.muli %add3A_399, %mul3A_400 : i32
        %dma_start3A_402 = arith.constant 0 : i32
        %dma_start3A_403 = arith.constant 2 : i32
        %dma_start3A_404 = arith.constant 0 : i32
        %dma_start3A_405 = tpu.memref_slice %arg5[%dma_start3A_403, %dma_start3A_404] : memref<4x128xi32, #tpu.memory_space<vmem>> -> memref<1x128xi32, #tpu.memory_space<vmem>>
        %dma_start3A_406 = tpu.memref_squeeze %dma_start3A_405 : memref<1x128xi32, #tpu.memory_space<vmem>> -> memref<128xi32, #tpu.memory_space<vmem>>
        %dma_start3A_407 = tpu.memref_slice %arg3[%dma_start3A_402, %mul3A_401] : memref<2x320000xi32, #tpu.memory_space<hbm>> -> memref<1x128xi32, #tpu.memory_space<hbm>>
        %dma_start3A_408 = tpu.memref_squeeze %dma_start3A_407 : memref<1x128xi32, #tpu.memory_space<hbm>> -> memref<128xi32, #tpu.memory_space<hbm>>
        %dma_start3A_409 = arith.constant 0 : i32
        %dma_start3A_410 = tpu.memref_slice %arg5[%dma_start3A_403, %dma_start3A_409] : memref<4x128xi32, #tpu.memory_space<vmem>> -> memref<1x128xi32, #tpu.memory_space<vmem>>
        %dma_start3A_411 = tpu.memref_squeeze %dma_start3A_410 : memref<1x128xi32, #tpu.memory_space<vmem>> -> memref<128xi32, #tpu.memory_space<vmem>>
        %dma_start3A_412 = tpu.memref_slice %arg3[%dma_start3A_402, %mul3A_401] : memref<2x320000xi32, #tpu.memory_space<hbm>> -> memref<1x128xi32, #tpu.memory_space<hbm>>
        %dma_start3A_413 = tpu.memref_squeeze %dma_start3A_412 : memref<1x128xi32, #tpu.memory_space<hbm>> -> memref<128xi32, #tpu.memory_space<hbm>>
        tpu.enqueue_dma source(%dma_start3A_413 : memref<128xi32, #tpu.memory_space<hbm>>) target(%dma_start3A_411 : memref<128xi32, #tpu.memory_space<vmem>>) target_semaphore(%arg22 : memref<!tpu.dma_semaphore, #tpu.memory_space<semaphore_mem>>)
        %dma_start3A_414 = arith.constant 1 : i32
        %dma_start3A_415 = arith.constant 2 : i32
        %dma_start3A_416 = arith.constant 0 : i32
        %dma_start3A_417 = tpu.memref_slice %arg6[%dma_start3A_415, %dma_start3A_416] : memref<4x128xi32, #tpu.memory_space<vmem>> -> memref<1x128xi32, #tpu.memory_space<vmem>>
        %dma_start3A_418 = tpu.memref_squeeze %dma_start3A_417 : memref<1x128xi32, #tpu.memory_space<vmem>> -> memref<128xi32, #tpu.memory_space<vmem>>
        %dma_start3A_419 = tpu.memref_slice %arg3[%dma_start3A_414, %mul3A_401] : memref<2x320000xi32, #tpu.memory_space<hbm>> -> memref<1x128xi32, #tpu.memory_space<hbm>>
        %dma_start3A_420 = tpu.memref_squeeze %dma_start3A_419 : memref<1x128xi32, #tpu.memory_space<hbm>> -> memref<128xi32, #tpu.memory_space<hbm>>
        %dma_start3A_421 = arith.constant 0 : i32
        %dma_start3A_422 = tpu.memref_slice %arg6[%dma_start3A_415, %dma_start3A_421] : memref<4x128xi32, #tpu.memory_space<vmem>> -> memref<1x128xi32, #tpu.memory_space<vmem>>
        %dma_start3A_423 = tpu.memref_squeeze %dma_start3A_422 : memref<1x128xi32, #tpu.memory_space<vmem>> -> memref<128xi32, #tpu.memory_space<vmem>>
        %dma_start3A_424 = tpu.memref_slice %arg3[%dma_start3A_414, %mul3A_401] : memref<2x320000xi32, #tpu.memory_space<hbm>> -> memref<1x128xi32, #tpu.memory_space<hbm>>
        %dma_start3A_425 = tpu.memref_squeeze %dma_start3A_424 : memref<1x128xi32, #tpu.memory_space<hbm>> -> memref<128xi32, #tpu.memory_space<hbm>>
        tpu.enqueue_dma source(%dma_start3A_425 : memref<128xi32, #tpu.memory_space<hbm>>) target(%dma_start3A_423 : memref<128xi32, #tpu.memory_space<vmem>>) target_semaphore(%arg22 : memref<!tpu.dma_semaphore, #tpu.memory_space<semaphore_mem>>)
      } else {
      }
      %add3A_391 = arith.constant 7 : i32
      %add3A_392 = arith.addi %mul3A_149, %add3A_391 : i32
      %lt3A_393 = arith.cmpi slt, %add3A_392, %add3A_3 : i32
      %convert_element_type3A_394 = arith.extui %lt3A_393 : i1 to i32
      %cond3A_395 = arith.constant 0 : i32
      %cond3A_396 = arith.cmpi ne, %convert_element_type3A_394, %cond3A_395 : i32
      scf.if %cond3A_396 {
        %add3A_397 = arith.constant 7 : i32
        %add3A_398 = arith.addi %mul3A_149, %add3A_397 : i32
        %add3A_399 = arith.addi %add3A_7, %add3A_398 : i32
        %mul3A_400 = arith.constant 128 : i32
        %mul3A_401 = arith.muli %add3A_399, %mul3A_400 : i32
        %dma_start3A_402 = arith.constant 0 : i32
        %dma_start3A_403 = arith.constant 3 : i32
        %dma_start3A_404 = arith.constant 0 : i32
        %dma_start3A_405 = tpu.memref_slice %arg5[%dma_start3A_403, %dma_start3A_404] : memref<4x128xi32, #tpu.memory_space<vmem>> -> memref<1x128xi32, #tpu.memory_space<vmem>>
        %dma_start3A_406 = tpu.memref_squeeze %dma_start3A_405 : memref<1x128xi32, #tpu.memory_space<vmem>> -> memref<128xi32, #tpu.memory_space<vmem>>
        %dma_start3A_407 = tpu.memref_slice %arg3[%dma_start3A_402, %mul3A_401] : memref<2x320000xi32, #tpu.memory_space<hbm>> -> memref<1x128xi32, #tpu.memory_space<hbm>>
        %dma_start3A_408 = tpu.memref_squeeze %dma_start3A_407 : memref<1x128xi32, #tpu.memory_space<hbm>> -> memref<128xi32, #tpu.memory_space<hbm>>
        %dma_start3A_409 = arith.constant 0 : i32
        %dma_start3A_410 = tpu.memref_slice %arg5[%dma_start3A_403, %dma_start3A_409] : memref<4x128xi32, #tpu.memory_space<vmem>> -> memref<1x128xi32, #tpu.memory_space<vmem>>
        %dma_start3A_411 = tpu.memref_squeeze %dma_start3A_410 : memref<1x128xi32, #tpu.memory_space<vmem>> -> memref<128xi32, #tpu.memory_space<vmem>>
        %dma_start3A_412 = tpu.memref_slice %arg3[%dma_start3A_402, %mul3A_401] : memref<2x320000xi32, #tpu.memory_space<hbm>> -> memref<1x128xi32, #tpu.memory_space<hbm>>
        %dma_start3A_413 = tpu.memref_squeeze %dma_start3A_412 : memref<1x128xi32, #tpu.memory_space<hbm>> -> memref<128xi32, #tpu.memory_space<hbm>>
        tpu.enqueue_dma source(%dma_start3A_413 : memref<128xi32, #tpu.memory_space<hbm>>) target(%dma_start3A_411 : memref<128xi32, #tpu.memory_space<vmem>>) target_semaphore(%arg22 : memref<!tpu.dma_semaphore, #tpu.memory_space<semaphore_mem>>)
        %dma_start3A_414 = arith.constant 1 : i32
        %dma_start3A_415 = arith.constant 3 : i32
        %dma_start3A_416 = arith.constant 0 : i32
        %dma_start3A_417 = tpu.memref_slice %arg6[%dma_start3A_415, %dma_start3A_416] : memref<4x128xi32, #tpu.memory_space<vmem>> -> memref<1x128xi32, #tpu.memory_space<vmem>>
        %dma_start3A_418 = tpu.memref_squeeze %dma_start3A_417 : memref<1x128xi32, #tpu.memory_space<vmem>> -> memref<128xi32, #tpu.memory_space<vmem>>
        %dma_start3A_419 = tpu.memref_slice %arg3[%dma_start3A_414, %mul3A_401] : memref<2x320000xi32, #tpu.memory_space<hbm>> -> memref<1x128xi32, #tpu.memory_space<hbm>>
        %dma_start3A_420 = tpu.memref_squeeze %dma_start3A_419 : memref<1x128xi32, #tpu.memory_space<hbm>> -> memref<128xi32, #tpu.memory_space<hbm>>
        %dma_start3A_421 = arith.constant 0 : i32
        %dma_start3A_422 = tpu.memref_slice %arg6[%dma_start3A_415, %dma_start3A_421] : memref<4x128xi32, #tpu.memory_space<vmem>> -> memref<1x128xi32, #tpu.memory_space<vmem>>
        %dma_start3A_423 = tpu.memref_squeeze %dma_start3A_422 : memref<1x128xi32, #tpu.memory_space<vmem>> -> memref<128xi32, #tpu.memory_space<vmem>>
        %dma_start3A_424 = tpu.memref_slice %arg3[%dma_start3A_414, %mul3A_401] : memref<2x320000xi32, #tpu.memory_space<hbm>> -> memref<1x128xi32, #tpu.memory_space<hbm>>
        %dma_start3A_425 = tpu.memref_squeeze %dma_start3A_424 : memref<1x128xi32, #tpu.memory_space<hbm>> -> memref<128xi32, #tpu.memory_space<hbm>>
        tpu.enqueue_dma source(%dma_start3A_425 : memref<128xi32, #tpu.memory_space<hbm>>) target(%dma_start3A_423 : memref<128xi32, #tpu.memory_space<vmem>>) target_semaphore(%arg22 : memref<!tpu.dma_semaphore, #tpu.memory_space<semaphore_mem>>)
      } else {
      }
    }
    %scan3A_141 = arith.constant 39 : i32
    %gt3A = arith.constant 156 : i32
    %gt3A_142 = arith.cmpi sgt, %add3A_3, %gt3A : i32
    %convert_element_type3A = arith.extui %gt3A_142 : i1 to i32
    %cond3A = arith.constant 0 : i32
    %cond3A_143 = arith.cmpi ne, %convert_element_type3A, %cond3A : i32
    scf.if %cond3A_143 {
      %dma_wait3A = arith.constant 0 : i32
      %dma_wait3A_147 = arith.constant 0 : i32
      %dma_wait3A_148 = arith.constant 0 : i32
      %dma_wait3A_149 = tpu.memref_slice %arg5[%dma_wait3A_147, %dma_wait3A_148] : memref<4x128xi32, #tpu.memory_space<vmem>> -> memref<1x128xi32, #tpu.memory_space<vmem>>
      %dma_wait3A_150 = tpu.memref_squeeze %dma_wait3A_149 : memref<1x128xi32, #tpu.memory_space<vmem>> -> memref<128xi32, #tpu.memory_space<vmem>>
      %dma_wait3A_151 = arith.constant 0 : i32
      %dma_wait3A_152 = tpu.memref_slice %arg3[%dma_wait3A, %dma_wait3A_151] : memref<2x320000xi32, #tpu.memory_space<hbm>> -> memref<1x128xi32, #tpu.memory_space<hbm>>
      %dma_wait3A_153 = tpu.memref_squeeze %dma_wait3A_152 : memref<1x128xi32, #tpu.memory_space<hbm>> -> memref<128xi32, #tpu.memory_space<hbm>>
      %dma_wait3A_154 = arith.constant 0 : i32
      %dma_wait3A_155 = tpu.memref_slice %arg5[%dma_wait3A_147, %dma_wait3A_154] : memref<4x128xi32, #tpu.memory_space<vmem>> -> memref<1x128xi32, #tpu.memory_space<vmem>>
      %dma_wait3A_156 = tpu.memref_squeeze %dma_wait3A_155 : memref<1x128xi32, #tpu.memory_space<vmem>> -> memref<128xi32, #tpu.memory_space<vmem>>
      %dma_wait3A_157 = arith.constant 0 : i32
      %dma_wait3A_158 = tpu.memref_slice %arg3[%dma_wait3A, %dma_wait3A_157] : memref<2x320000xi32, #tpu.memory_space<hbm>> -> memref<1x128xi32, #tpu.memory_space<hbm>>
      %dma_wait3A_159 = tpu.memref_squeeze %dma_wait3A_158 : memref<1x128xi32, #tpu.memory_space<hbm>> -> memref<128xi32, #tpu.memory_space<hbm>>
      tpu.wait_dma2 semaphore(%arg21 : memref<!tpu.dma_semaphore, #tpu.memory_space<semaphore_mem>>) src(%dma_wait3A_159 : memref<128xi32, #tpu.memory_space<hbm>>) dst(%dma_wait3A_156 : memref<128xi32, #tpu.memory_space<vmem>>)
      %dma_wait3A_160 = arith.constant 0 : i32
      %dma_wait3A_161 = arith.constant 0 : i32
      %dma_wait3A_162 = arith.constant 0 : i32
      %dma_wait3A_163 = tpu.memref_slice %arg5[%dma_wait3A_161, %dma_wait3A_162] : memref<4x128xi32, #tpu.memory_space<vmem>> -> memref<1x128xi32, #tpu.memory_space<vmem>>
      %dma_wait3A_164 = tpu.memref_squeeze %dma_wait3A_163 : memref<1x128xi32, #tpu.memory_space<vmem>> -> memref<128xi32, #tpu.memory_space<vmem>>
      %dma_wait3A_165 = arith.constant 0 : i32
      %dma_wait3A_166 = tpu.memref_slice %arg3[%dma_wait3A_160, %dma_wait3A_165] : memref<2x320000xi32, #tpu.memory_space<hbm>> -> memref<1x128xi32, #tpu.memory_space<hbm>>
      %dma_wait3A_167 = tpu.memref_squeeze %dma_wait3A_166 : memref<1x128xi32, #tpu.memory_space<hbm>> -> memref<128xi32, #tpu.memory_space<hbm>>
      %dma_wait3A_168 = arith.constant 0 : i32
      %dma_wait3A_169 = tpu.memref_slice %arg5[%dma_wait3A_161, %dma_wait3A_168] : memref<4x128xi32, #tpu.memory_space<vmem>> -> memref<1x128xi32, #tpu.memory_space<vmem>>
      %dma_wait3A_170 = tpu.memref_squeeze %dma_wait3A_169 : memref<1x128xi32, #tpu.memory_space<vmem>> -> memref<128xi32, #tpu.memory_space<vmem>>
      %dma_wait3A_171 = arith.constant 0 : i32
      %dma_wait3A_172 = tpu.memref_slice %arg3[%dma_wait3A_160, %dma_wait3A_171] : memref<2x320000xi32, #tpu.memory_space<hbm>> -> memref<1x128xi32, #tpu.memory_space<hbm>>
      %dma_wait3A_173 = tpu.memref_squeeze %dma_wait3A_172 : memref<1x128xi32, #tpu.memory_space<hbm>> -> memref<128xi32, #tpu.memory_space<hbm>>
      tpu.wait_dma2 semaphore(%arg21 : memref<!tpu.dma_semaphore, #tpu.memory_space<semaphore_mem>>) src(%dma_wait3A_173 : memref<128xi32, #tpu.memory_space<hbm>>) dst(%dma_wait3A_170 : memref<128xi32, #tpu.memory_space<vmem>>)
      %dma_start3A_174 = arith.constant 0 : i32
      %dma_start3A_175 = arith.constant 0 : i32
      %dma_start3A_176 = tpu.memref_slice %arg5[%dma_start3A_174, %dma_start3A_175] : memref<4x128xi32, #tpu.memory_space<vmem>> -> memref<1x128xi32, #tpu.memory_space<vmem>>
      %dma_start3A_177 = tpu.memref_squeeze %dma_start3A_176 : memref<1x128xi32, #tpu.memory_space<vmem>> -> memref<128xi32, #tpu.memory_space<vmem>>
      %dma_start3A_178 = arith.constant 0 : i32
      %dma_start3A_179 = arith.constant 0 : i32
      %dma_start3A_180 = tpu.memref_slice %arg11[%dma_start3A_178, %dma_start3A_179] : memref<10240x64xf32, #tpu.memory_space<vmem_shared>> -> memref<10240x64xf32, #tpu.memory_space<vmem_shared>>
      tpu.enqueue_indirect_dma source(%dma_start3A_180 : memref<10240x64xf32, #tpu.memory_space<vmem_shared>>) target(%arg7 : memref<128x64xf32, #tpu.memory_space<vmem>>) offsets(%dma_start3A_177 : memref<128xi32, #tpu.memory_space<vmem>>) semaphore(%arg13 : memref<!tpu.dma_semaphore, #tpu.memory_space<semaphore_mem>>)
      %dma_wait3A_181 = arith.constant 0 : i32
      %dma_wait3A_182 = arith.constant 0 : i32
      %dma_wait3A_183 = tpu.memref_slice %arg5[%dma_wait3A_181, %dma_wait3A_182] : memref<4x128xi32, #tpu.memory_space<vmem>> -> memref<1x128xi32, #tpu.memory_space<vmem>>
      %dma_wait3A_184 = tpu.memref_squeeze %dma_wait3A_183 : memref<1x128xi32, #tpu.memory_space<vmem>> -> memref<128xi32, #tpu.memory_space<vmem>>
      %dma_wait3A_185 = arith.constant 0 : i32
      %dma_wait3A_186 = arith.constant 0 : i32
      %dma_wait3A_187 = tpu.memref_slice %arg11[%dma_wait3A_185, %dma_wait3A_186] : memref<10240x64xf32, #tpu.memory_space<vmem_shared>> -> memref<10240x64xf32, #tpu.memory_space<vmem_shared>>
      tpu.wait_indirect_dma semaphore(%arg13 : memref<!tpu.dma_semaphore, #tpu.memory_space<semaphore_mem>>) src(%dma_wait3A_187 : memref<10240x64xf32, #tpu.memory_space<vmem_shared>>) dst(%arg7 : memref<128x64xf32, #tpu.memory_space<vmem>>)
      %dma_start3A_188 = arith.constant 0 : i32
      %dma_start3A_189 = arith.constant 0 : i32
      %dma_start3A_190 = tpu.memref_slice %arg6[%dma_start3A_188, %dma_start3A_189] : memref<4x128xi32, #tpu.memory_space<vmem>> -> memref<1x128xi32, #tpu.memory_space<vmem>>
      %dma_start3A_191 = tpu.memref_squeeze %dma_start3A_190 : memref<1x128xi32, #tpu.memory_space<vmem>> -> memref<128xi32, #tpu.memory_space<vmem>>
      %dma_start3A_192 = arith.constant 0 : i32
      %dma_start3A_193 = arith.constant 0 : i32
      %dma_start3A_194 = tpu.memref_slice %arg12[%dma_start3A_192, %dma_start3A_193] : memref<10240x64xf32, #tpu.memory_space<vmem_shared>> -> memref<10240x64xf32, #tpu.memory_space<vmem_shared>>
      tpu.enqueue_indirect_dma source(%arg7 : memref<128x64xf32, #tpu.memory_space<vmem>>) target(%dma_start3A_194 : memref<10240x64xf32, #tpu.memory_space<vmem_shared>>) offsets(%dma_start3A_191 : memref<128xi32, #tpu.memory_space<vmem>>) semaphore(%arg17 : memref<!tpu.dma_semaphore, #tpu.memory_space<semaphore_mem>>) {add = true}
      %dma_wait3A_195 = arith.constant 0 : i32
      %dma_wait3A_196 = arith.constant 0 : i32
      %dma_wait3A_197 = tpu.memref_slice %arg6[%dma_wait3A_195, %dma_wait3A_196] : memref<4x128xi32, #tpu.memory_space<vmem>> -> memref<1x128xi32, #tpu.memory_space<vmem>>
      %dma_wait3A_198 = tpu.memref_squeeze %dma_wait3A_197 : memref<1x128xi32, #tpu.memory_space<vmem>> -> memref<128xi32, #tpu.memory_space<vmem>>
      %dma_wait3A_199 = arith.constant 0 : i32
      %dma_wait3A_200 = arith.constant 0 : i32
      %dma_wait3A_201 = tpu.memref_slice %arg12[%dma_wait3A_199, %dma_wait3A_200] : memref<10240x64xf32, #tpu.memory_space<vmem_shared>> -> memref<10240x64xf32, #tpu.memory_space<vmem_shared>>
      tpu.wait_indirect_dma semaphore(%arg17 : memref<!tpu.dma_semaphore, #tpu.memory_space<semaphore_mem>>) src(%arg7 : memref<128x64xf32, #tpu.memory_space<vmem>>) dst(%dma_wait3A_201 : memref<10240x64xf32, #tpu.memory_space<vmem_shared>>)
    } else {
    }
    %barrier3A_144 = arith.constant 0 : index
    tpu.barrier barrier_id(%barrier3A_144)
    %mul3A_145 = arith.constant 64 : i32
    %mul3A_146 = arith.muli %arg0, %mul3A_145 : i32
    "tpu.region"() ({
      %run_scoped3A = tpu.sem_alloc : memref<!tpu.dma_semaphore, #tpu.memory_space<semaphore_mem>>
      %dma_start3A_147 = tpu.memref_slice %arg4[%mul3A_0, %mul3A_146] : memref<10240x128xf32, #tpu.memory_space<hbm>> -> memref<640x64xf32, #tpu.memory_space<hbm>>
      %dma_start3A_148 = arith.constant 0 : i32
      %dma_start3A_149 = tpu.memref_slice %arg12[%mul3A_0, %dma_start3A_148] : memref<10240x64xf32, #tpu.memory_space<vmem_shared>> -> memref<640x64xf32, #tpu.memory_space<vmem_shared>>
      tpu.enqueue_dma source(%dma_start3A_149 : memref<640x64xf32, #tpu.memory_space<vmem_shared>>) target(%dma_start3A_147 : memref<640x64xf32, #tpu.memory_space<hbm>>) target_semaphore(%run_scoped3A : memref<!tpu.dma_semaphore, #tpu.memory_space<semaphore_mem>>)
      %dma_wait3A = tpu.memref_slice %arg4[%mul3A_0, %mul3A_146] : memref<10240x128xf32, #tpu.memory_space<hbm>> -> memref<640x64xf32, #tpu.memory_space<hbm>>
      %dma_wait3A_150 = arith.constant 0 : i32
      %dma_wait3A_151 = tpu.memref_slice %arg12[%mul3A_0, %dma_wait3A_150] : memref<10240x64xf32, #tpu.memory_space<vmem_shared>> -> memref<640x64xf32, #tpu.memory_space<vmem_shared>>
      tpu.wait_dma2 semaphore(%run_scoped3A : memref<!tpu.dma_semaphore, #tpu.memory_space<semaphore_mem>>) src(%dma_wait3A_151 : memref<640x64xf32, #tpu.memory_space<vmem_shared>>) dst(%dma_wait3A : memref<640x64xf32, #tpu.memory_space<hbm>>)
      tpu.yield
    }) : () -> ()
    return
  }
}

module attributes {stable_mosaic.version = 14 : i64} {
  func.func @_tc_prescale_body(%arg0: memref<2x10240x1xf32, #tpu.memory_space<vmem>>, %arg1: memref<10000x128xf32, #tpu.memory_space<vmem>>, %arg2: memref<10240x128xf32, #tpu.memory_space<vmem>>) attributes {dimension_semantics = [], scalar_prefetch = 0 : i64, scratch_operands = 0 : i64, tpu.core_type = #tpu.core_type<tc>} {
    %get3A = arith.constant 0 : index
    %get3A_0 = arith.constant 0 : index
    %get3A_1 = arith.constant 0 : index
    %get3A_2 = vector.load %arg0[%get3A, %get3A_0, %get3A_1] : memref<2x10240x1xf32, #tpu.memory_space<vmem>>, vector<1x10240x1xf32>
    %get3A_3 = vector.shape_cast %get3A_2 : vector<1x10240x1xf32> to vector<10240x1xf32>
    %get3A_4 = arith.constant 1 : index
    %get3A_5 = arith.constant 0 : index
    %get3A_6 = arith.constant 0 : index
    %get3A_7 = vector.load %arg0[%get3A_4, %get3A_5, %get3A_6] : memref<2x10240x1xf32, #tpu.memory_space<vmem>>, vector<1x10240x1xf32>
    %get3A_8 = vector.shape_cast %get3A_7 : vector<1x10240x1xf32> to vector<10240x1xf32>
    %add3A = arith.addf %get3A_3, %get3A_8 : vector<10240x1xf32>
    %gt3A = arith.constant 0.000000e+00 : f32
    %gt3A_9 = vector.broadcast %gt3A : f32 to vector<10240x1xf32>
    %gt3A_10 = arith.cmpf ogt, %add3A, %gt3A_9 : vector<10240x1xf32>
    %rsqrt3A = math.rsqrt %add3A : vector<10240x1xf32>
    %jit3A = arith.constant 0.000000e+00 : f32
    %broadcast_in_dim3A = vector.broadcast %jit3A : f32 to vector<10240x1xf32>
    %select_n3A = arith.select %gt3A_10, %rsqrt3A, %broadcast_in_dim3A : vector<10240x1xi1>, vector<10240x1xf32>
    %get3A_11 = arith.constant 0 : index
    %get3A_12 = arith.constant 0 : index
    %get3A_13 = vector.load %arg1[%get3A_11, %get3A_12] : memref<10000x128xf32, #tpu.memory_space<vmem>>, vector<10000x128xf32>
    %slice3A = vector.extract_strided_slice %select_n3A {offsets = [0, 0], sizes = [10000, 1], strides = [1, 1]} : vector<10240x1xf32> to vector<10000x1xf32>
    %mul3A = vector.broadcast %slice3A : vector<10000x1xf32> to vector<10000x128xf32>
    %mul3A_14 = arith.mulf %get3A_13, %mul3A : vector<10000x128xf32>
    %swap3A = arith.constant 0 : index
    %swap3A_15 = arith.constant 0 : index
    %swap3A_16 = vector.load %arg2[%swap3A, %swap3A_15] : memref<10240x128xf32, #tpu.memory_space<vmem>>, vector<10000x128xf32>
    tpu.vector_store %arg2[%swap3A, %swap3A_15], %mul3A_14 {strides = array<i32>} : memref<10240x128xf32, #tpu.memory_space<vmem>>, vector<10000x128xf32>,
    %broadcast_in_dim3A_17 = arith.constant 0.000000e+00 : f32
    %broadcast_in_dim3A_18 = vector.broadcast %broadcast_in_dim3A_17 : f32 to vector<240x128xf32>
    %swap3A_19 = arith.constant 10000 : index
    %swap3A_20 = arith.constant 0 : index
    %swap3A_21 = vector.load %arg2[%swap3A_19, %swap3A_20] : memref<10240x128xf32, #tpu.memory_space<vmem>>, vector<240x128xf32>
    tpu.vector_store %arg2[%swap3A_19, %swap3A_20], %broadcast_in_dim3A_18 {strides = array<i32>} : memref<10240x128xf32, #tpu.memory_space<vmem>>, vector<240x128xf32>,
    return
  }
}

module attributes {stable_mosaic.version = 14 : i64} {
  func.func @_tc_finish_body(%arg0: memref<10240x128xf32, #tpu.memory_space<vmem>>, %arg1: memref<2x10240x1xf32, #tpu.memory_space<vmem>>, %arg2: memref<128x128xf32, #tpu.memory_space<vmem>>, %arg3: memref<1x128xf32, #tpu.memory_space<vmem>>, %arg4: memref<10000x128xf32, #tpu.memory_space<vmem>>) attributes {dimension_semantics = [], scalar_prefetch = 0 : i64, scratch_operands = 0 : i64, tpu.core_type = #tpu.core_type<tc>} {
    %get3A = arith.constant 0 : index
    %get3A_0 = arith.constant 0 : index
    %get3A_1 = vector.load %arg0[%get3A, %get3A_0] : memref<10240x128xf32, #tpu.memory_space<vmem>>, vector<10000x128xf32>
    %get3A_2 = arith.constant 0 : index
    %get3A_3 = arith.constant 0 : index
    %get3A_4 = arith.constant 0 : index
    %get3A_5 = vector.load %arg1[%get3A_2, %get3A_3, %get3A_4] : memref<2x10240x1xf32, #tpu.memory_space<vmem>>, vector<1x10000x1xf32>
    %get3A_6 = vector.shape_cast %get3A_5 : vector<1x10000x1xf32> to vector<10000x1xf32>
    %get3A_7 = arith.constant 1 : index
    %get3A_8 = arith.constant 0 : index
    %get3A_9 = arith.constant 0 : index
    %get3A_10 = vector.load %arg1[%get3A_7, %get3A_8, %get3A_9] : memref<2x10240x1xf32, #tpu.memory_space<vmem>>, vector<1x10000x1xf32>
    %get3A_11 = vector.shape_cast %get3A_10 : vector<1x10000x1xf32> to vector<10000x1xf32>
    %add3A = arith.addf %get3A_6, %get3A_11 : vector<10000x1xf32>
    %gt3A = arith.constant 0.000000e+00 : f32
    %gt3A_12 = vector.broadcast %gt3A : f32 to vector<10000x1xf32>
    %gt3A_13 = arith.cmpf ogt, %add3A, %gt3A_12 : vector<10000x1xf32>
    %rsqrt3A = math.rsqrt %add3A : vector<10000x1xf32>
    %jit3A = arith.constant 0.000000e+00 : f32
    %broadcast_in_dim3A = vector.broadcast %jit3A : f32 to vector<10000x1xf32>
    %select_n3A = arith.select %gt3A_13, %rsqrt3A, %broadcast_in_dim3A : vector<10000x1xi1>, vector<10000x1xf32>
    %mul3A = vector.broadcast %select_n3A : vector<10000x1xf32> to vector<10000x128xf32>
    %mul3A_14 = arith.mulf %get3A_1, %mul3A : vector<10000x128xf32>
    %get3A_15 = arith.constant 0 : index
    %get3A_16 = arith.constant 0 : index
    %get3A_17 = vector.load %arg2[%get3A_15, %get3A_16] : memref<128x128xf32, #tpu.memory_space<vmem>>, vector<128x128xf32>
    %dot_general3A = arith.constant dense<0.000000e+00> : vector<10000x128xf32>
    %dot_general3A_18 = tpu.matmul %mul3A_14, %get3A_17, %dot_general3A {dimension_numbers = #tpu.dot_dimension_numbers<[1], [1], [0], [0], [0, 0, 1, 0], [], []>, transpose_lhs_hint = false} : vector<10000x128xf32>, vector<128x128xf32>, vector<10000x128xf32> -> vector<10000x128xf32>
    %get3A_19 = arith.constant 0 : index
    %get3A_20 = arith.constant 0 : index
    %get3A_21 = vector.load %arg3[%get3A_19, %get3A_20] : memref<1x128xf32, #tpu.memory_space<vmem>>, vector<1x128xf32>
    %add3A_22 = vector.broadcast %get3A_21 : vector<1x128xf32> to vector<10000x128xf32>
    %add3A_23 = arith.addf %dot_general3A_18, %add3A_22 : vector<10000x128xf32>
    %swap3A = arith.constant 0 : index
    %swap3A_24 = arith.constant 0 : index
    %swap3A_25 = vector.load %arg4[%swap3A, %swap3A_24] : memref<10000x128xf32, #tpu.memory_space<vmem>>, vector<10000x128xf32>
    tpu.vector_store %arg4[%swap3A, %swap3A_24], %add3A_23 {strides = array<i32>} : memref<10000x128xf32, #tpu.memory_space<vmem>>, vector<10000x128xf32>,
    return
  }
}

</mosaic_0001>

<sc_bundles>
// kernel: kernel.6.cloned.1.call-start
scs
__scs_entry_jumppad:
0x0: {  	(pc) =	sbr.rel $0x88, $3  }
0x1: {  	(tag) =	ssettag $0x0;
	lr =	simm.s32 $0x1  }
0x2: {  	[smem:$0x3F9D] =	sst lr;
	_ =	strace $0xD0000000  }
0x3: {  	_ = 	snop  }
0x4: {  	_ = 	snop  }
0x5: {  	_ = 	snop  }
0x6: {  	_ = 	snop  }
0x7: {  	_ = 	snop  }
__scs_overlays_trampoline_lowered:
0x8: {  	[smem:$0x3FAC] =	sst s0  }
0x9: {  	[smem:$0x3FAD] =	sst s1  }
0xa: {  	[smem:$0x3FAE] =	sst s2  }
0xb: {  	[smem:$0x3FAF] =	sst s3  }
0xc: {  	[smem:$0x3FB0] =	sst s4  }
0xd: {  	[smem:$0x3FB1] =	sst s5  }
0xe: {  	[smem:$0x3FB2] =	sst s6  }
0xf: {  	[smem:$0x3FB3] =	sst s7  }
0x10: {  	[smem:$0x3FB4] =	sst s8  }
0x11: {  	[smem:$0x3FB5] =	sst s9;
	s0 =	simm.s32 @!p0 $0x0  }
0x12: {  	s1 =	sld [smem:$0x3F9B];
	s0 =	simm.s32 @p0 $0x1  }
0x13: {  	[smem:$0x3FB6] =	sst s0;
	s0 =	simm.s32 @!p1 $0x0  }
0x14: {  	s2 =	sld [smem:$0x3F9A];
	s0 =	simm.s32 @p1 $0x1  }
0x15: {  	[smem:$0x3FB7] =	sst s0;
	s0 =	simm.s32 @!p2 $0x0  }
0x16: {  	s3 =	sld [smem:$0x3FDB];
	s0 =	simm.s32 @p2 $0x1  }
0x17: {  	s4 =	simm.s32 $0x1BF5;
	[smem:$0x3FB9] =	sst s0  }
0x18: {  	s0 =	sld [smem:$0x3F9C];
	_ =	swait.ge [sflag:s4], $0x0  }
0x19: {  	s7 =	sld [smem:$0x3F9D]  }
0x1a: {  	s8 =	sadd.s32 $0xFFFFE003, lr  }
0x1b: {  	s9 =	sadd.s32 $0xFFFFFEF7, lr;
	s5 =	simm.s32 $0xFFFFFFFF;
	p2 =	slt.u32 s8, $0xFFFFF086  }
0x1c: {  	p1 =	slt.u32 s9, $0xF7A;
	s5 =	simm.s32 @!p2 $0x0  }
0x1d: {  	s5 =	simm.s32 @p1 $0x1;
	p0 =	seq.s32 s7, s2  }
0x1e: {  	s7 =	smul.u32 @!p0 $0xF7A, s2;
	p2 =	seq.s32 @!p0 s5, $0x0  }
0x1f: {  	s9 =	smul.u32 $0xF7A, s1;
	s8 =	simm.s32 @!p0 $0x1BF5;
	p2 =	por !p2, p0  }
0x20: {  	[sflag:s8] =	ssyncset.s32 @!p0 $0xFFFFF086;
	s6 =	sadd.s32 @!p0 s3, s7;
	s7 =	simm.s32 @!p0 $0x108  }
0x21: {  	s3 =	sadd.s32 s3, s9;
	s6 =	sadd.s32 @!p0 $0x88, s6;
	s7 =	simm.s32 @p2 $0x1082  }
0x22: {  	[simem:s7], [sflag:s8] =	dma.local @!p0 [hbm:s6], $0xF7A  }
0x23: {  	s9 =	sor.u32 $0xD0000000, s2;
	s6 =	simm.s32 $0x108;
	_ =	swait.ge @!p0 [sflag:s8], $0x0  }
0x24: {  	s3 =	sadd.s32 $0x88, s3;
	s6 =	simm.s32 @!p1 $0x1082;
	[sflag:s4] =	ssyncset.s32 $0xFFFFF086  }
0x25: {  	[simem:s6], [sflag:s4] =	dma.local [hbm:s3], $0xF7A  }
0x26: {  	[smem:$0x3F9D] =	sst s1;
	(tag) =	ssettag s2;
	_ =	strace s9  }
0x27: {  	s1 =	sld [smem:$0x3FAD]  }
0x28: {  	s2 =	sld [smem:$0x3FAE]  }
0x29: {  	s4 =	sld [smem:$0x3FB0]  }
0x2a: {  	p0 =	seq.s32 s5, $0x0;
	s5 =	sld [smem:$0x3FB1]  }
0x2b: {  	s6 =	sld [smem:$0x3FB2]  }
0x2c: {  	s7 =	sld [smem:$0x3FB3]  }
0x2d: {  	s3 =	simm.s32 $0x108;
	s8 =	sld [smem:$0x3FB4]  }
0x2e: {  	s3 =	simm.s32 @!p0 $0x1082;
	s9 =	sld [smem:$0x3FB5]  }
0x2f: {  	lr =	sadd.s32 s0, s3;
	s0 =	sld [smem:$0x3FAC]  }
0x30: {  	s3 =	sld [smem:$0x3FAF]  }
0x31: {  	[smem:$0x3FB8] =	sst s10  }
0x32: {  	s10 =	sld [smem:$0x3FB6];
	_ =	sdelay $0x3  }
0x33: {  	p0 =	seq.s32 s10, $0x1;
	s10 =	sld [smem:$0x3FB8];
	_ =	sdelay $0x3  }
0x34: {  	[smem:$0x3FB8] =	sst s10  }
0x35: {  	s10 =	sld [smem:$0x3FB7];
	_ =	sdelay $0x3  }
0x36: {  	p1 =	seq.s32 s10, $0x1;
	s10 =	sld [smem:$0x3FB8];
	_ =	sdelay $0x3  }
0x37: {  	[smem:$0x3FB8] =	sst s10  }
0x38: {  	s10 =	sld [smem:$0x3FB9]  }
0x39: {  	_ = 	snop;
	(pc) =	sbr.ind lr, $3  }
0x3a: {  	_ = 	snop  }
0x3b: {  	_ = 	snop  }
0x3c: {  	p2 =	seq.s32 s10, $0x1;
	s10 =	sld [smem:$0x3FB8]  }
0x3d: {  	_ =	shalt  }
0x3e: {  	_ =	shalt  }
0x3f: {  	_ =	shalt  }
0x40: {  	_ =	shalt  }
0x41: {  	_ =	shalt  }
0x42: {  	_ =	shalt  }
0x43: {  	_ =	shalt  }
0x44: {  	_ =	shalt  }
0x45: {  	_ =	shalt  }
0x46: {  	_ =	shalt  }
0x47: {  	_ =	shalt  }
0x48: {  	_ =	shalt  }
0x49: {  	_ =	shalt  }
0x4a: {  	_ =	shalt  }
0x4b: {  	_ =	shalt  }
0x4c: {  	_ =	shalt  }
0x4d: {  	_ =	shalt  }
0x4e: {  	_ =	shalt  }
0x4f: {  	_ =	shalt  }
0x50: {  	_ =	shalt  }
0x51: {  	_ =	shalt  }
0x52: {  	_ =	shalt  }
0x53: {  	_ =	shalt  }
0x54: {  	_ =	shalt  }
0x55: {  	_ =	shalt  }
0x56: {  	_ =	shalt  }
0x57: {  	_ =	shalt  }
0x58: {  	_ =	shalt  }
0x59: {  	_ =	shalt  }
0x5a: {  	_ =	shalt  }
0x5b: {  	_ =	shalt  }
0x5c: {  	_ =	shalt  }
0x5d: {  	_ =	shalt  }
0x5e: {  	_ =	shalt  }
0x5f: {  	_ =	shalt  }
0x60: {  	_ =	shalt  }
0x61: {  	_ =	shalt  }
0x62: {  	_ =	shalt  }
0x63: {  	_ =	shalt  }
0x64: {  	_ =	shalt  }
0x65: {  	_ =	shalt  }
0x66: {  	_ =	shalt  }
0x67: {  	_ =	shalt  }
0x68: {  	_ =	shalt  }
0x69: {  	_ =	shalt  }
0x6a: {  	_ =	shalt  }
0x6b: {  	_ =	shalt  }
0x6c: {  	_ =	shalt  }
0x6d: {  	_ =	shalt  }
0x6e: {  	_ =	shalt  }
0x6f: {  	_ =	shalt  }
0x70: {  	_ =	shalt  }
0x71: {  	_ =	shalt  }
0x72: {  	_ =	shalt  }
0x73: {  	_ =	shalt  }
0x74: {  	_ =	shalt  }
0x75: {  	_ =	shalt  }
0x76: {  	_ =	shalt  }
0x77: {  	_ =	shalt  }
0x78: {  	_ =	shalt  }
0x79: {  	_ =	shalt  }
0x7a: {  	_ =	shalt  }
0x7b: {  	_ =	shalt  }
0x7c: {  	_ =	shalt  }
0x7d: {  	_ =	shalt  }
0x7e: {  	_ =	shalt  }
0x7f: {  	_ =	shalt  }
0x80: {  	_ =	shalt  }
0x81: {  	_ =	shalt  }
0x82: {  	_ =	shalt  }
0x83: {  	_ =	shalt  }
0x84: {  	_ =	shalt  }
0x85: {  	_ =	shalt  }
0x86: {  	_ =	shalt  }
0x87: {  	_ =	shalt  }
.Lfunc_end0:
.L_simem_size_0:
called_computation_lowered:
.L_overlay_start_0:
0x88: {  	s2 =	sld [smem:$0x3FD9]  }
0x89: {  	s3 =	sld [smem:$0x3FFE];
	_ =	sdelay $0x1  }
0x8a: {  	s1 =	srdreg.scid  }
0x8b: {  	s0 =	sand.u32 $0x1, s1  }
0x8c: {  	s17 =	sshll.u32 s0, $0xA;
	s2 =	sadd.s32 s3, s2  }
0x8d: {  	s2 =	sadd.s32 s2, s17  }
0x8e: {  	[smem:$0x3FC4] =	sst s2  }
0x8f: {  	_ = 	snop  }
0x90: {  	s2 =	sld [smem:$0x3FD0];
	(tm) =	ssettm $0x1  }
0x91: {  	s18 =	sld [smem:$0x3FFB];
	_ =	sdelay $0x3  }
0x92: {  	_ =	strace s18  }
0x93: {  	s3 =	sld [smem:$0x3FFC];
	_ =	sdelay $0x3  }
0x94: {  	_ =	strace s3  }
0x95: {  	s3 =	sld [smem:$0x3FFD];
	_ =	sdelay $0x3  }
0x96: {  	_ =	strace s3  }
0x97: {  	_ =	strace $0x8FFFFFFF  }
0x98: {  	s19 =	sld [smem:$0x3FDB];
	_ =	sdelay $0x1  }
0x99: {  	s4 =	simm.s32 $_scs_section_size  }
0x9a: {  	s5 =	simm.s32 $_size__tile_overlayer_lowered;
	s6 =	simm.s32 $_tile_overlayer_lowered  }
0x9b: {  	s22 =	simm.s32 $0x1BFF;
	s21 =	sshll.u32 s6, $0x1;
	s3 =	sadd.s32 s4, s19  }
0x9c: {  	s7 =	simm.s32 $0x0;
	s20 =	sshll.u32 s5, $0x1;
	s5 =	sadd.s32 s21, s3  }
0x9d: {  	[timem:s7], [sflag:s22] =	dma.local [hbm:s5], s20  }
0x9e: {  	_ =	swait.ge [sflag:s22], s20  }
0x9f: {  	s4 =	ssub.s32 $0x0, s20;
	[sflag:s22] =	ssyncset.done $0x0  }
0xa0: {  	[sflag:s22] =	ssyncadd.s32 s4;
	_ =	sdelay $0x1  }
0xa1: {  	s23 =	simm.s32 $0x1B8B  }
0xa2: {  	_ =	swait.ge [sflag:s23], $0x1  }
0xa3: {  	[sflag:s23] =	ssyncset.done $0x0  }
0xa4: {  	s25 =	simm.s32 $0x1B8E;
	s24 =	sld [smem:$0x3FFE];
	[sflag:s23] =	ssyncadd.s32 $0xFFFFFFFF  }
0xa5: {  	s26 =	simm.s32 $execute0_lowered;
	[smem:$0x3FD2] =	sst s25  }
0xa6: {  	s5 =	sshll.u32 s26, $0x1;
	_ =	strace $0x80000046;
	[dreg:$0x1] =	wrdreg $0xFFFFFFFF  }
0xa7: {  	s28 =	simm.s32 $_size_execute0_lowered;
	s3 =	sadd.s32 s3, s5;
	[dreg:$0x0] =	wrdreg $0x0  }
0xa8: {  	s5 =	sshll.u32 s28, $0x1;
	[dreg:$0x2] =	wrdreg s3  }
0xa9: {  	[dreg:$0x3] =	wrdreg s5  }
0xaa: {  	[dreg:$0x4] =	wrdreg $0xC0  }
0xab: {  	_ =	task [dreg:s7], $0x5FFFF  }
0xac: {  	[dreg:$0x1] =	wrdreg $0xFFFFFFFF  }
0xad: {  	[dreg:$0x0] =	wrdreg $0x60  }
0xae: {  	[dreg:$0x2] =	wrdreg s2  }
0xaf: {  	[dreg:$0x3] =	wrdreg s24  }
0xb0: {  	[dreg:$0x4] =	wrdreg $0x4000  }
0xb1: {  	[dreg:$0x5] =	wrdreg $0x9  }
0xb2: {  	_ =	task.clear_ibuf [dreg:s7], $0x6FFFF;
	_ =	strace $0x90000046  }
0xb3: {  	s29 =	simm.s32 $0x9;
	_ =	strace $0x80000048  }
0xb4: {  	_ =	swait.ge [sflag:s29], $0x1  }
0xb5: {  	[sflag:s29] =	ssyncadd.s32 $0xFFFFFFFF  }
0xb6: {  	_ =	strace $0x90000048  }
0xb7: {  	_ =	sfence  }
0xb8: {  	s30 =	sld [smem:$0x0];
	_ =	sdelay $0x2  }
0xb9: {  	s31 =	sshll.u32 s1, $0xD;
	s1 =	sshrl.u32 s1, $0x2  }
0xba: {  	s3 =	sand.u32 $0x4000, s31;
	s1 =	sadd.s32 s1, s30  }
0xbb: {  	s0 =	sor.u32 s3, s0;
	s1 =	sshll.u32 s1, $0x11  }
0xbc: {  	s0 =	sor.u32 s1, s0  }
0xbd: {  	s0 =	sadd.s32 $0x8F2B, s0  }
0xbe: {  	[sflag:s0] =	ssyncadd.remote.s32 $0x1  }
0xbf: {  	_ =	sfence.sel $0xFFFF  }
0xc0: {  	[dreg:$0x0] =	wrdreg $0xFFFFFFFF;
	(pc) =	sbr.abs _section_cstart, $3  }
0xc1: {  	[dreg:$0x1] =	wrdreg $0xFFFFFFFF  }
0xc2: {  	_ =	task.clear_ibuf [dreg:s7], $0x2FFFF;
	_ =	strace $0x9FFFFFFF  }
0xc3: {  	(tm) =	ssettm $0x7FFFFFFF  }
tec
execute0_lowered:
.L_overlay_start_1:
0x0: {  	(tag) =	ssettag $0x1  }
0x1: {  	s9 =	rddreg [dreg:$0x0]  }
0x2: {  	s4 =	rddreg [dreg:$0x1]  }
0x3: {  	s2 =	rddreg [dreg:$0x2];
	s3 =	srdreg.scid  }
0x4: {  	s0 =	rddreg [dreg:$0x3];
	s1 =	stileid.u32  }
0x5: {  	s15 =	simm.s32 $0x100;
	s16 =	simm.s32 $0x2;
	s19 =	simm.s32 $0x0  }
0x6: {  	s5 =	sand.u32 $0x1, s3;
	s3 =	simm.s32 $0x0;
	s6 =	smul.u32 $0x280, s1  }
0x7: {  	s14 =	smul.u32 $0x4E0, s1;
	s31 =	sshll.u32 s1, $0x6;
	s7 =	sshll.u32 s5, $0x4  }
0x8: {  	[smem:$0x7FF] =	sst s3;
	s8 =	smul.u32 $0x2800, s5;
	s10 =	ssub.s32 $0x2, s5  }
0x9: {  	s13 =	smul.u32 $0x4E00, s5;
	s17 =	sor.u32 s1, s7;
	_ =	strace $0x80000047  }
0xa: {  	s12 =	sshrl.u32 s10, $0x1;
	s7 =	smul.u32 $0x4E, s17;
	s8 =	sadd.s32 s6, s8  }
0xb: {  	s11 =	smin.u32 s17, $0x4;
	s10 =	ssub.s32 s10, s12;
	s30 =	sadd.s32 s13, s9  }
0xc: {  	s12 =	simm.s32 $0x3;
	s13 =	simm.s32 $0x80;
	p0 =	sgt.u32 s17, $0x3  }
0xd: {  	s17 =	sor.u32 $0x1C03, s31;
	s8 =	sshrl.u32 s8, $0x3;
	s7 =	sadd.s32 s11, s7  }
0xe: {  	s8 =	sadd.s32 s8, s4;
	s4 =	sadd.s32 s6, s2;
	s7 =	sshll.u32 s7, $0x4  }
0xf: {  	s11 =	sshll.u32 s11, $0x4;
	s18 =	sshrl.u32 s4, $0x3;
	s29 =	sadd.s32 s9, s7  }
0x10: {  	s7 =	sadd.s32 $0x1800, s8;
	s8 =	smax.u32 s10, $0x1;
	s10 =	sadd.s32 s14, s30  }
0x11: {  	s14 =	simm.s32 $0x1;
	s5 =	sadd.s32 $0x9C40, s29;
	s6 =	sadd.s32 $0x9C50, s29  }
0x12: {  	v0 =	vimm.f32 $0.0e+00;
	v1 =	vimm.f32 $1.000000000e+00;
	s9 =	sadd.s32 $0xA120, s29;
	s10 =	sadd.s32 s11, s10;
	s11 =	simm.s32 $0x180  }
.LBB2_1:
0x13: {  	[tilespmem:$0x180] =	vst v0  }
0x14: {  	[tilespmem:$0x190] =	vst v0  }
0x15: {  	[tilespmem:$0x1A0] =	vst v0  }
0x16: {  	[tilespmem:$0x1B0] =	vst v0  }
0x17: {  	[tilespmem:$0x1C0] =	vst v0  }
0x18: {  	[tilespmem:$0x1D0] =	vst v0  }
0x19: {  	[tilespmem:$0x1E0] =	vst v0  }
0x1a: {  	[tilespmem:$0x1F0] =	vst v0  }
0x1b: {  	[tilespmem:$0x200] =	vst v0  }
0x1c: {  	[tilespmem:$0x210] =	vst v0  }
0x1d: {  	[tilespmem:$0x220] =	vst v0  }
0x1e: {  	[tilespmem:$0x230] =	vst v0  }
0x1f: {  	[tilespmem:$0x240] =	vst v0  }
0x20: {  	[tilespmem:$0x250] =	vst v0  }
0x21: {  	[tilespmem:$0x260] =	vst v0  }
0x22: {  	[tilespmem:$0x270] =	vst v0  }
0x23: {  	[tilespmem:$0x280] =	vst v0  }
0x24: {  	[tilespmem:$0x290] =	vst v0  }
0x25: {  	[tilespmem:$0x2A0] =	vst v0  }
0x26: {  	[tilespmem:$0x2B0] =	vst v0  }
0x27: {  	[tilespmem:$0x2C0] =	vst v0  }
0x28: {  	[tilespmem:$0x2D0] =	vst v0  }
0x29: {  	[tilespmem:$0x2E0] =	vst v0  }
0x2a: {  	[tilespmem:$0x2F0] =	vst v0  }
0x2b: {  	[tilespmem:$0x300] =	vst v0  }
0x2c: {  	[tilespmem:$0x310] =	vst v0  }
0x2d: {  	[tilespmem:$0x320] =	vst v0  }
0x2e: {  	[tilespmem:$0x330] =	vst v0  }
0x2f: {  	[tilespmem:$0x340] =	vst v0  }
0x30: {  	[tilespmem:$0x350] =	vst v0  }
0x31: {  	[tilespmem:$0x360] =	vst v0  }
0x32: {  	[tilespmem:$0x370] =	vst v0  }
0x33: {  	[tilespmem:$0x380] =	vst v0  }
0x34: {  	[tilespmem:$0x390] =	vst v0  }
0x35: {  	[tilespmem:$0x3A0] =	vst v0  }
0x36: {  	[tilespmem:$0x3B0] =	vst v0  }
0x37: {  	[tilespmem:$0x3C0] =	vst v0  }
0x38: {  	[tilespmem:$0x3D0] =	vst v0  }
0x39: {  	[tilespmem:$0x3E0] =	vst v0  }
0x3a: {  	[tilespmem:$0x3F0] =	vst v0  }
0x3b: {  	[tilespmem:$0x100] =	vst v1  }
0x3c: {  	[tilespmem:$0x110] =	vst v1  }
0x3d: {  	[tilespmem:$0x120] =	vst v1  }
0x3e: {  	[tilespmem:$0x130] =	vst v1  }
0x3f: {  	[tilespmem:$0x140] =	vst v1  }
0x40: {  	[tilespmem:$0x150] =	vst v1  }
0x41: {  	[tilespmem:$0x160] =	vst v1  }
0x42: {  	[tilespmem:$0x170] =	vst v1  }
0x43: {  	[spmem:s4] =	stream.linear.scatter [tilespmem:s11], [sflag:$0x3], $0x280, $0x38;
	[tilespmem:$0x680] =	vst v63  }
0x44: {  	_ =	swait.ge [sflag:s12], $0x280  }
0x45: {  	[sflag:s12] =	ssyncset.done $0x0  }
0x46: {  	[sflag:s12] =	ssyncadd.s32 $0xFFFFFD80  }
0x47: {  	[tilespmem:s3], [sflag:$0x1] =	stream.linear.gather [hbm4b:s5+s3], $0x80, $0x38;
	[tilespmem:$0x680] =	vst v63  }
0x48: {  	_ = 	snop  }
0x49: {  	[tilespmem:s13], [sflag:$0x2] =	stream.linear.gather [hbm4b:s6+s3], $0x80, $0x38;
	[tilespmem:$0x680] =	vst v63  }
0x4a: {  	[bflag:$0x0] =	sbarrier.arrive $0xFFFF  }
0x4b: {  	_ =	swait.ge [sflag:s14], $0x80  }
0x4c: {  	[sflag:s14] =	ssyncset.done $0x0  }
0x4d: {  	[sflag:s14] =	ssyncadd.s32 $0xFFFFFF80  }
0x4e: {  	[spmem:s2] =	stream.indirect.scatter.add.f32 [tilespmem:s15], [sflag:$0x3], $0x1, s3, s13, $0xb8;
	[tilespmem:$0x680] =	vst v63  }
0x4f: {  	_ =	swait.ge [sflag:s12], $0x80  }
0x50: {  	s21 =	sadd.s32 $0xFFFFFB40, s10;
	[sflag:s12] =	ssyncset.done $0x0  }
0x51: {  	s20 =	sadd.s32 $0xA120, s21;
	[sflag:s12] =	ssyncadd.s32 $0xFFFFFF80  }
0x52: {  	[tilespmem:s3], [sflag:$0x1] =	stream.linear.gather [hbm4b:s20+s3], $0x80, $0x38;
	[tilespmem:$0x680] =	vst v63  }
0x53: {  	_ =	swait.ge [sflag:s16], $0x80  }
0x54: {  	[sflag:s16] =	ssyncset.done $0x0  }
0x55: {  	[sflag:s16] =	ssyncadd.s32 $0xFFFFFF80  }
0x56: {  	[spmem:s2] =	stream.indirect.scatter.add.f32 [tilespmem:s15], [sflag:$0x3], $0x1, s13, s13, $0xb8;
	[tilespmem:$0x680] =	vst v63  }
0x57: {  	_ =	swait.ge [sflag:s12], $0x80  }
0x58: {  	[sflag:s12] =	ssyncset.done $0x0  }
0x59: {  	s21 =	sadd.s32 $0xA130, s21;
	s20 =	simm.s32 $0xFFFFFB60;
	[sflag:s12] =	ssyncadd.s32 $0xFFFFFF80  }
.LBB2_2:
0x5a: {  	[tilespmem:s13], [sflag:$0x2] =	stream.linear.gather [hbm4b:s21+s3], $0x80, $0x38;
	[tilespmem:$0x680] =	vst v63  }
0x5b: {  	s21 =	smov.u32 s20  }
0x5c: {  	p1 =	sne.s32 s20, $0xFFFFFFE0;
	s20 =	sadd.s32 $0x20, s20;
	_ =	swait.ge [sflag:s14], $0x80  }
0x5d: {  	[sflag:s14] =	ssyncset.done $0x0  }
0x5e: {  	[sflag:s14] =	ssyncadd.s32 $0xFFFFFF80  }
0x5f: {  	[spmem:s2] =	stream.indirect.scatter.add.f32 [tilespmem:s15], [sflag:$0x3], $0x1, s3, s13, $0xb8;
	[tilespmem:$0x680] =	vst v63  }
0x60: {  	_ =	swait.ge [sflag:s12], $0x80  }
0x61: {  	s21 =	sadd.s32 s21, s10;
	[sflag:s12] =	ssyncset.done $0x0  }
0x62: {  	s22 =	sadd.s32 $0xA120, s21;
	[sflag:s12] =	ssyncadd.s32 $0xFFFFFF80  }
0x63: {  	[tilespmem:s3], [sflag:$0x1] =	stream.linear.gather [hbm4b:s22+s3], $0x80, $0x38;
	[tilespmem:$0x680] =	vst v63  }
0x64: {  	_ =	swait.ge [sflag:s16], $0x80  }
0x65: {  	[sflag:s16] =	ssyncset.done $0x0  }
.Ltmp0:
0x66: {  	[sflag:s16] =	ssyncadd.s32 $0xFFFFFF80;
	(pc) =	sbr.rel @p1 .LBB2_2-.Ltmp0, $4  }
0x67: {  	[spmem:s2] =	stream.indirect.scatter.add.f32 [tilespmem:s15], [sflag:$0x3], $0x1, s13, s13, $0xb8;
	[tilespmem:$0x680] =	vst v63  }
0x68: {  	_ =	swait.ge [sflag:s12], $0x80  }
0x69: {  	[sflag:s12] =	ssyncset.done $0x0  }
0x6a: {  	s21 =	sadd.s32 $0xA130, s21;
	[sflag:s12] =	ssyncadd.s32 $0xFFFFFF80  }
0x6b: {  	[tilespmem:s13], [sflag:$0x2] =	stream.linear.gather [hbm4b:s21+s3], $0x80, $0x38;
	[tilespmem:$0x680] =	vst v63  }
0x6c: {  	_ =	swait.ge [sflag:s14], $0x80  }
0x6d: {  	[sflag:s14] =	ssyncset.done $0x0  }
0x6e: {  	[sflag:s14] =	ssyncadd.s32 $0xFFFFFF80  }
0x6f: {  	[spmem:s2] =	stream.indirect.scatter.add.f32 [tilespmem:s15], [sflag:$0x3], $0x1, s3, s13, $0xb8;
	[tilespmem:$0x680] =	vst v63  }
0x70: {  	_ =	swait.ge [sflag:s12], $0x80  }
0x71: {  	[sflag:s12] =	ssyncset.done $0x0  }
0x72: {  	s20 =	simm.s32 @!p0 $0x0;
	s21 =	simm.s32 @!p0 $0x2;
	[sflag:s12] =	ssyncadd.s32 $0xFFFFFF80  }
0x73: {  	[tilespmem:s20], [sflag:$0x1] =	stream.linear.gather @!p0 [hbm4b:s9+s20], $0x80, $0x38;
	[tilespmem:$0x680] =	vst v63  }
0x74: {  	_ =	swait.ge @!p0 [sflag:s21], $0x80  }
0x75: {  	[sflag:s21] =	ssyncset.done @!p0 $0x0  }
0x76: {  	s22 =	simm.s32 @!p0 $0x100;
	[sflag:s21] =	ssyncadd.s32 @!p0 $0xFFFFFF80;
	s21 =	simm.s32 @!p0 $0x80  }
0x77: {  	[spmem:s2] =	stream.indirect.scatter.add.f32 @!p0 [tilespmem:s22], [sflag:$0x3], $0x1, s21, s21, $0xb8;
	[tilespmem:$0x680] =	vst v63  }
0x78: {  	s21 =	simm.s32 @!p0 $0x3  }
0x79: {  	_ =	swait.ge @!p0 [sflag:s21], $0x80  }
0x7a: {  	s22 =	simm.s32 @!p0 $0x1;
	[sflag:s21] =	ssyncset.done @!p0 $0x0  }
0x7b: {  	s22 =	simm.s32 @p0 $0x2;
	[sflag:s21] =	ssyncadd.s32 @!p0 $0xFFFFFF80  }
0x7c: {  	_ =	swait.ge [sflag:s22], $0x80  }
0x7d: {  	[sflag:s22] =	ssyncset.done $0x0  }
0x7e: {  	s20 =	simm.s32 @p0 $0x80;
	[sflag:s22] =	ssyncadd.s32 $0xFFFFFF80  }
0x7f: {  	[spmem:s2] =	stream.indirect.scatter.add.f32 [tilespmem:s15], [sflag:$0x3], $0x1, s20, s13, $0xb8;
	[tilespmem:$0x680] =	vst v63  }
0x80: {  	_ =	swait.ge [sflag:s12], $0x80  }
0x81: {  	s19 =	sadd.s32 $0x1, s19;
	[sflag:s12] =	ssyncset.done $0x0  }
0x82: {  	p1 =	sne.s32 s19, s8;
	[sflag:s12] =	ssyncadd.s32 $0xFFFFFF80  }
.Ltmp1:
0x83: {  	[bflag:$0x0] =	sbarrier.arrive $0xFFFF;
	(pc) =	sbr.rel @p1 .LBB2_1-.Ltmp1, $4  }
0x84: {  	[hbm:s7], [sflag:s17] =	dma.local [spmem:s18], $0x50  }
0x85: {  	_ =	swait.ge [sflag:s12], $0x50  }
0x86: {  	[sflag:s12] =	ssyncset.done $0x0  }
0x87: {  	[sflag:s12] =	ssyncadd.s32 $0xFFFFFFB0  }
0x88: {  	_ =	sfence.sel $0x180000  }
0x89: {  	[bflag:$0x0] =	sbarrier.arrive $0xFFFF  }
0x8a: {  	p0 =	sne.s32 s1, $0x0;
	_ =	strace $0x90000047  }
0x8b: {  	s0 =	sadd.s32 @!p0 $0x100000, s0;
	[bflag:$0x2] =	sbarrier.arrive $0xFFFF  }
0x8c: {  	[sflag:s0] =	ssyncadd.tile.s32 @!p0 $0x1;
	_ =	shalt  }
.Lfunc_end2:
_tile_overlayer_lowered:
.L_overlay_start_2:
0x8d: {  	(tag) =	ssettag $0x2  }
0x8e: {  	s0 =	rddreg [dreg:$0x0];
	s2 =	stileid.u32  }
0x8f: {  	s1 =	rddreg [dreg:$0x1];
	p0 =	sne.s32 s2, $0x0  }
0x90: {  	s3 =	rddreg [dreg:$0x2];
	[bflag:$0x3] =	sbarrier.arrive $0xFFFF;
	s2 =	simm.s32 @!p0 $0x1C03  }
0x91: {  	[timem:s3], [sflag:s2] =	dma.local @!p0 [hbm:s0], s1  }
0x92: {  	s0 =	simm.s32 @!p0 $0x3  }
0x93: {  	_ =	swait.ge @!p0 [sflag:s0], s1  }
0x94: {  	s1 =	ssub.s32 @!p0 $0x0, s1;
	[sflag:s0] =	ssyncset.done @!p0 $0x0  }
0x95: {  	[sflag:s0] =	ssyncadd.s32 @!p0 s1  }
0x96: {  	[bflag:$0x3] =	sbarrier.arrive $0xFFFF  }
0x97: {  	_ =	shalt  }

// kernel: kernel.9.cloned.1.call-start
scs
__scs_entry_jumppad:
0x0: {  	(pc) =	sbr.rel $0x88, $3  }
0x1: {  	(tag) =	ssettag $0x0;
	lr =	simm.s32 $0x1  }
0x2: {  	[smem:$0x3F9D] =	sst lr;
	_ =	strace $0xD0000000  }
0x3: {  	_ = 	snop  }
0x4: {  	_ = 	snop  }
0x5: {  	_ = 	snop  }
0x6: {  	_ = 	snop  }
0x7: {  	_ = 	snop  }
__scs_overlays_trampoline_lowered:
0x8: {  	[smem:$0x3FAC] =	sst s0  }
0x9: {  	[smem:$0x3FAD] =	sst s1  }
0xa: {  	[smem:$0x3FAE] =	sst s2  }
0xb: {  	[smem:$0x3FAF] =	sst s3  }
0xc: {  	[smem:$0x3FB0] =	sst s4  }
0xd: {  	[smem:$0x3FB1] =	sst s5  }
0xe: {  	[smem:$0x3FB2] =	sst s6  }
0xf: {  	[smem:$0x3FB3] =	sst s7  }
0x10: {  	[smem:$0x3FB4] =	sst s8  }
0x11: {  	[smem:$0x3FB5] =	sst s9;
	s0 =	simm.s32 @!p0 $0x0  }
0x12: {  	s1 =	sld [smem:$0x3F9B];
	s0 =	simm.s32 @p0 $0x1  }
0x13: {  	[smem:$0x3FB6] =	sst s0;
	s0 =	simm.s32 @!p1 $0x0  }
0x14: {  	s2 =	sld [smem:$0x3F9A];
	s0 =	simm.s32 @p1 $0x1  }
0x15: {  	[smem:$0x3FB7] =	sst s0;
	s0 =	simm.s32 @!p2 $0x0  }
0x16: {  	s3 =	sld [smem:$0x3FDB];
	s0 =	simm.s32 @p2 $0x1  }
0x17: {  	s4 =	simm.s32 $0x1BF5;
	[smem:$0x3FB9] =	sst s0  }
0x18: {  	s0 =	sld [smem:$0x3F9C];
	_ =	swait.ge [sflag:s4], $0x0  }
0x19: {  	s7 =	sld [smem:$0x3F9D]  }
0x1a: {  	s8 =	sadd.s32 $0xFFFFE003, lr  }
0x1b: {  	s9 =	sadd.s32 $0xFFFFFEF7, lr;
	s5 =	simm.s32 $0xFFFFFFFF;
	p2 =	slt.u32 s8, $0xFFFFF086  }
0x1c: {  	p1 =	slt.u32 s9, $0xF7A;
	s5 =	simm.s32 @!p2 $0x0  }
0x1d: {  	s5 =	simm.s32 @p1 $0x1;
	p0 =	seq.s32 s7, s2  }
0x1e: {  	s7 =	smul.u32 @!p0 $0xF7A, s2;
	p2 =	seq.s32 @!p0 s5, $0x0  }
0x1f: {  	s9 =	smul.u32 $0xF7A, s1;
	s8 =	simm.s32 @!p0 $0x1BF5;
	p2 =	por !p2, p0  }
0x20: {  	[sflag:s8] =	ssyncset.s32 @!p0 $0xFFFFF086;
	s6 =	sadd.s32 @!p0 s3, s7;
	s7 =	simm.s32 @!p0 $0x108  }
0x21: {  	s3 =	sadd.s32 s3, s9;
	s6 =	sadd.s32 @!p0 $0x88, s6;
	s7 =	simm.s32 @p2 $0x1082  }
0x22: {  	[simem:s7], [sflag:s8] =	dma.local @!p0 [hbm:s6], $0xF7A  }
0x23: {  	s9 =	sor.u32 $0xD0000000, s2;
	s6 =	simm.s32 $0x108;
	_ =	swait.ge @!p0 [sflag:s8], $0x0  }
0x24: {  	s3 =	sadd.s32 $0x88, s3;
	s6 =	simm.s32 @!p1 $0x1082;
	[sflag:s4] =	ssyncset.s32 $0xFFFFF086  }
0x25: {  	[simem:s6], [sflag:s4] =	dma.local [hbm:s3], $0xF7A  }
0x26: {  	[smem:$0x3F9D] =	sst s1;
	(tag) =	ssettag s2;
	_ =	strace s9  }
0x27: {  	s1 =	sld [smem:$0x3FAD]  }
0x28: {  	s2 =	sld [smem:$0x3FAE]  }
0x29: {  	s4 =	sld [smem:$0x3FB0]  }
0x2a: {  	p0 =	seq.s32 s5, $0x0;
	s5 =	sld [smem:$0x3FB1]  }
0x2b: {  	s6 =	sld [smem:$0x3FB2]  }
0x2c: {  	s7 =	sld [smem:$0x3FB3]  }
0x2d: {  	s3 =	simm.s32 $0x108;
	s8 =	sld [smem:$0x3FB4]  }
0x2e: {  	s3 =	simm.s32 @!p0 $0x1082;
	s9 =	sld [smem:$0x3FB5]  }
0x2f: {  	lr =	sadd.s32 s0, s3;
	s0 =	sld [smem:$0x3FAC]  }
0x30: {  	s3 =	sld [smem:$0x3FAF]  }
0x31: {  	[smem:$0x3FB8] =	sst s10  }
0x32: {  	s10 =	sld [smem:$0x3FB6];
	_ =	sdelay $0x3  }
0x33: {  	p0 =	seq.s32 s10, $0x1;
	s10 =	sld [smem:$0x3FB8];
	_ =	sdelay $0x3  }
0x34: {  	[smem:$0x3FB8] =	sst s10  }
0x35: {  	s10 =	sld [smem:$0x3FB7];
	_ =	sdelay $0x3  }
0x36: {  	p1 =	seq.s32 s10, $0x1;
	s10 =	sld [smem:$0x3FB8];
	_ =	sdelay $0x3  }
0x37: {  	[smem:$0x3FB8] =	sst s10  }
0x38: {  	s10 =	sld [smem:$0x3FB9]  }
0x39: {  	_ = 	snop;
	(pc) =	sbr.ind lr, $3  }
0x3a: {  	_ = 	snop  }
0x3b: {  	_ = 	snop  }
0x3c: {  	p2 =	seq.s32 s10, $0x1;
	s10 =	sld [smem:$0x3FB8]  }
0x3d: {  	_ =	shalt  }
0x3e: {  	_ =	shalt  }
0x3f: {  	_ =	shalt  }
0x40: {  	_ =	shalt  }
0x41: {  	_ =	shalt  }
0x42: {  	_ =	shalt  }
0x43: {  	_ =	shalt  }
0x44: {  	_ =	shalt  }
0x45: {  	_ =	shalt  }
0x46: {  	_ =	shalt  }
0x47: {  	_ =	shalt  }
0x48: {  	_ =	shalt  }
0x49: {  	_ =	shalt  }
0x4a: {  	_ =	shalt  }
0x4b: {  	_ =	shalt  }
0x4c: {  	_ =	shalt  }
0x4d: {  	_ =	shalt  }
0x4e: {  	_ =	shalt  }
0x4f: {  	_ =	shalt  }
0x50: {  	_ =	shalt  }
0x51: {  	_ =	shalt  }
0x52: {  	_ =	shalt  }
0x53: {  	_ =	shalt  }
0x54: {  	_ =	shalt  }
0x55: {  	_ =	shalt  }
0x56: {  	_ =	shalt  }
0x57: {  	_ =	shalt  }
0x58: {  	_ =	shalt  }
0x59: {  	_ =	shalt  }
0x5a: {  	_ =	shalt  }
0x5b: {  	_ =	shalt  }
0x5c: {  	_ =	shalt  }
0x5d: {  	_ =	shalt  }
0x5e: {  	_ =	shalt  }
0x5f: {  	_ =	shalt  }
0x60: {  	_ =	shalt  }
0x61: {  	_ =	shalt  }
0x62: {  	_ =	shalt  }
0x63: {  	_ =	shalt  }
0x64: {  	_ =	shalt  }
0x65: {  	_ =	shalt  }
0x66: {  	_ =	shalt  }
0x67: {  	_ =	shalt  }
0x68: {  	_ =	shalt  }
0x69: {  	_ =	shalt  }
0x6a: {  	_ =	shalt  }
0x6b: {  	_ =	shalt  }
0x6c: {  	_ =	shalt  }
0x6d: {  	_ =	shalt  }
0x6e: {  	_ =	shalt  }
0x6f: {  	_ =	shalt  }
0x70: {  	_ =	shalt  }
0x71: {  	_ =	shalt  }
0x72: {  	_ =	shalt  }
0x73: {  	_ =	shalt  }
0x74: {  	_ =	shalt  }
0x75: {  	_ =	shalt  }
0x76: {  	_ =	shalt  }
0x77: {  	_ =	shalt  }
0x78: {  	_ =	shalt  }
0x79: {  	_ =	shalt  }
0x7a: {  	_ =	shalt  }
0x7b: {  	_ =	shalt  }
0x7c: {  	_ =	shalt  }
0x7d: {  	_ =	shalt  }
0x7e: {  	_ =	shalt  }
0x7f: {  	_ =	shalt  }
0x80: {  	_ =	shalt  }
0x81: {  	_ =	shalt  }
0x82: {  	_ =	shalt  }
0x83: {  	_ =	shalt  }
0x84: {  	_ =	shalt  }
0x85: {  	_ =	shalt  }
0x86: {  	_ =	shalt  }
0x87: {  	_ =	shalt  }
.Lfunc_end0:
.L_simem_size_0:
called_computation.1_lowered:
.L_overlay_start_0:
0x88: {  	s2 =	sld [smem:$0x3FD9]  }
0x89: {  	s3 =	sld [smem:$0x3FFE];
	_ =	sdelay $0x1  }
0x8a: {  	s1 =	srdreg.scid  }
0x8b: {  	s0 =	sand.u32 $0x1, s1  }
0x8c: {  	s17 =	sshll.u32 s0, $0xA;
	s2 =	sadd.s32 s3, s2  }
0x8d: {  	s2 =	sadd.s32 s2, s17  }
0x8e: {  	[smem:$0x3FC4] =	sst s2  }
0x8f: {  	_ = 	snop  }
0x90: {  	s2 =	sld [smem:$0x3FD0];
	(tm) =	ssettm $0x1  }
0x91: {  	s18 =	sld [smem:$0x3FFB];
	_ =	sdelay $0x3  }
0x92: {  	_ =	strace s18  }
0x93: {  	s3 =	sld [smem:$0x3FFC];
	_ =	sdelay $0x3  }
0x94: {  	_ =	strace s3  }
0x95: {  	s3 =	sld [smem:$0x3FFD];
	_ =	sdelay $0x3  }
0x96: {  	_ =	strace s3  }
0x97: {  	_ =	strace $0x8FFFFFFF  }
0x98: {  	s19 =	sld [smem:$0x3FDB];
	_ =	sdelay $0x1  }
0x99: {  	s4 =	simm.s32 $_scs_section_size  }
0x9a: {  	s5 =	simm.s32 $_size__tile_overlayer_lowered;
	s6 =	simm.s32 $_tile_overlayer_lowered  }
0x9b: {  	s22 =	simm.s32 $0x1BFF;
	s21 =	sshll.u32 s6, $0x1;
	s3 =	sadd.s32 s4, s19  }
0x9c: {  	s7 =	simm.s32 $0x0;
	s20 =	sshll.u32 s5, $0x1;
	s5 =	sadd.s32 s21, s3  }
0x9d: {  	[timem:s7], [sflag:s22] =	dma.local [hbm:s5], s20  }
0x9e: {  	_ =	swait.ge [sflag:s22], s20  }
0x9f: {  	s4 =	ssub.s32 $0x0, s20;
	[sflag:s22] =	ssyncset.done $0x0  }
0xa0: {  	[sflag:s22] =	ssyncadd.s32 s4;
	_ =	sdelay $0x1  }
0xa1: {  	s23 =	simm.s32 $0x1B8B  }
0xa2: {  	_ =	swait.ge [sflag:s23], $0x1  }
0xa3: {  	[sflag:s23] =	ssyncset.done $0x0  }
0xa4: {  	s25 =	simm.s32 $0x1B8E;
	s24 =	sld [smem:$0x3FFE];
	[sflag:s23] =	ssyncadd.s32 $0xFFFFFFFF  }
0xa5: {  	s26 =	simm.s32 $execute0_lowered;
	[smem:$0x3FD2] =	sst s25  }
0xa6: {  	s5 =	sshll.u32 s26, $0x1;
	_ =	strace $0x80000049;
	[dreg:$0x1] =	wrdreg $0xFFFFFFFF  }
0xa7: {  	s28 =	simm.s32 $_size_execute0_lowered;
	s3 =	sadd.s32 s3, s5;
	[dreg:$0x0] =	wrdreg $0x0  }
0xa8: {  	s5 =	sshll.u32 s28, $0x1;
	[dreg:$0x2] =	wrdreg s3  }
0xa9: {  	[dreg:$0x3] =	wrdreg s5  }
0xaa: {  	[dreg:$0x4] =	wrdreg $0xC0  }
0xab: {  	_ =	task [dreg:s7], $0x5FFFF  }
0xac: {  	[dreg:$0x1] =	wrdreg $0xFFFFFFFF  }
0xad: {  	[dreg:$0x0] =	wrdreg $0x60  }
0xae: {  	[dreg:$0x2] =	wrdreg s24  }
0xaf: {  	[dreg:$0x3] =	wrdreg s2  }
0xb0: {  	[dreg:$0x4] =	wrdreg $0x124000  }
0xb1: {  	[dreg:$0x5] =	wrdreg $0x84000  }
0xb2: {  	[dreg:$0x6] =	wrdreg $0x9  }
0xb3: {  	_ =	task.clear_ibuf [dreg:s7], $0x7FFFF;
	_ =	strace $0x90000049  }
0xb4: {  	s29 =	simm.s32 $0x9;
	_ =	strace $0x8000004B  }
0xb5: {  	_ =	swait.ge [sflag:s29], $0x1  }
0xb6: {  	[sflag:s29] =	ssyncadd.s32 $0xFFFFFFFF  }
0xb7: {  	_ =	strace $0x9000004B  }
0xb8: {  	_ =	sfence  }
0xb9: {  	s30 =	sld [smem:$0x0];
	_ =	sdelay $0x2  }
0xba: {  	s31 =	sshll.u32 s1, $0xD;
	s1 =	sshrl.u32 s1, $0x2  }
0xbb: {  	s3 =	sand.u32 $0x4000, s31;
	s1 =	sadd.s32 s1, s30  }
0xbc: {  	s0 =	sor.u32 s3, s0;
	s1 =	sshll.u32 s1, $0x11  }
0xbd: {  	s0 =	sor.u32 s1, s0  }
0xbe: {  	s0 =	sadd.s32 $0x8F2B, s0  }
0xbf: {  	[sflag:s0] =	ssyncadd.remote.s32 $0x1  }
0xc0: {  	_ =	sfence.sel $0xFFFF  }
0xc1: {  	[dreg:$0x0] =	wrdreg $0xFFFFFFFF;
	(pc) =	sbr.abs _section_cstart, $3  }
0xc2: {  	[dreg:$0x1] =	wrdreg $0xFFFFFFFF  }
0xc3: {  	_ =	task.clear_ibuf [dreg:s7], $0x2FFFF;
	_ =	strace $0x9FFFFFFF  }
0xc4: {  	(tm) =	ssettm $0x7FFFFFFF  }
0xc5: {  	_ =	shalt  }
tec
execute0_lowered:
.L_overlay_start_1:
0x0: {  	(tag) =	ssettag $0x1  }
0x1: {  	s0 =	rddreg [dreg:$0x0]  }
0x2: {  	s1 =	rddreg [dreg:$0x1]  }
0x3: {  	s2 =	rddreg [dreg:$0x2]  }
0x4: {  	s4 =	srdreg.scid;
	s10 =	stileid.u32  }
0x5: {  	s3 =	rddreg [dreg:$0x3];
	s5 =	smul.u32 $0x14000, s10  }
0x6: {  	s30 =	simm.s32 $0x0;
	s28 =	simm.s32 $0x8;
	s24 =	smul.u32 $0x28000, s10  }
0x7: {  	s31 =	simm.s32 $0x80;
	s29 =	simm.s32 $0x300;
	s7 =	smul.u32 $0x9C, s10  }
0x8: {  	s4 =	sand.u32 $0x1, s4;
	[smem:$0x7FF] =	sst s30;
	s9 =	smul.u32 $0xA000, s10  }
0x9: {  	p0 =	slt.u32 s10, $0x4;
	s8 =	smin.u32 s10, $0x4;
	s20 =	smul.u32 $0x9C0, s10  }
0xa: {  	s6 =	sshll.u32 s4, $0x6;
	s4 =	ssub.s32 $0x2, s4;
	_ =	strace $0x8000004A  }
0xb: {  	s5 =	sor.u32 s6, s5;
	s23 =	sshrl.u32 s4, $0x1;
	s6 =	sshrl.u32 s24, $0x2  }
0xc: {  	s7 =	sadd.s32 s8, s7;
	s24 =	sadd.s32 s9, s2;
	s13 =	sadd.s32 s9, s3  }
0xd: {  	s5 =	sshrl.u32 s5, $0x3;
	s4 =	ssub.s32 s4, s23;
	s6 =	sadd.s32 s6, s2  }
0xe: {  	s12 =	sshll.u32 s7, $0x4;
	[dreg:$0x5] =	wrdreg s24;
	s11 =	sadd.s32 $0x2000, s6  }
0xf: {  	s23 =	sadd.s32 s20, s1;
	s25 =	sadd.s32 $0x4000, s6;
	[dreg:$0x6] =	wrdreg s11  }
0x10: {  	s7 =	simm.s32 $0x200;
	s26 =	sadd.s32 $0x6000, s6;
	[dreg:$0x7] =	wrdreg s25  }
0x11: {  	s20 =	simm.s32 $0x6;
	s6 =	sadd.s32 $0x8000, s6;
	[dreg:$0x8] =	wrdreg s26  }
0x12: {  	s0 =	sadd.s32 s5, s0;
	s15 =	sadd.s32 s1, s12;
	[dreg:$0x9] =	wrdreg s6  }
0x13: {  	s5 =	simm.s32 $0x9D;
	s22 =	smax.u32 s4, $0x1;
	[dreg:$0xb] =	wrdreg s15  }
0x14: {  	s1 =	simm.s32 $0xB;
	s14 =	sadd.s32 $0x1800, s0;
	[dreg:$0x14] =	wrdreg s22  }
0x15: {  	s4 =	simm.s32 $0x0;
	s6 =	sadd.s32 $0x9C40, s15;
	[dreg:$0xa] =	wrdreg s14  }
0x16: {  	s5 =	simm.s32 @!p0 $0x9C;
	s16 =	sadd.s32 $0x10, s15;
	[dreg:$0xc] =	wrdreg s6  }
0x17: {  	s17 =	sadd.s32 $0x9C50, s15;
	s18 =	sadd.s32 $0x20, s15;
	[dreg:$0xd] =	wrdreg s16  }
0x18: {  	s19 =	sadd.s32 $0x9C60, s15;
	s21 =	sadd.s32 $0x30, s15;
	[dreg:$0xe] =	wrdreg s17  }
0x19: {  	s9 =	sadd.s32 $0x9C70, s15;
	s0 =	sadd.s32 $0x29800, s0;
	[dreg:$0xf] =	wrdreg s18  }
0x1a: {  	s25 =	sshll.u32 s8, $0x4;
	s26 =	sshrl.u32 s13, $0x3;
	[dreg:$0x10] =	wrdreg s19  }
0x1b: {  	p0 =	sgt.u32 s10, $0x3;
	s8 =	simm.s32 $0x280;
	[dreg:$0x11] =	wrdreg s21  }
0x1c: {  	s10 =	simm.s32 $0x9;
	s11 =	simm.s32 $0x2400;
	[dreg:$0x12] =	wrdreg s9  }
0x1d: {  	s13 =	simm.s32 $0xA;
	s15 =	simm.s32 $0x6400;
	[dreg:$0x13] =	wrdreg s0  }
0x1e: {  	s22 =	sadd.s32 s25, s23;
	s23 =	simm.s32 $0x400;
	[dreg:$0x15] =	wrdreg s26  }
0x1f: {  	s26 =	simm.s32 $0x1;
	s25 =	simm.s32 $0x10;
	s9 =	simm.s32 $0x100  }
0x20: {  	s14 =	simm.s32 $0x4400;
	s16 =	simm.s32 $0x2;
	s17 =	simm.s32 $0x3  }
0x21: {  	v0 =	vimm.f32 $0.0e+00;
	s18 =	simm.s32 $0x4;
	s19 =	simm.s32 $0x5;
	s21 =	simm.s32 $0x7  }
.LBB2_1:
0x22: {  	[dreg:$0x16] =	wrdreg s4;
	s12 =	simm.s32 $0x100;
	s6 =	simm.s32 $0x0  }
.LBB2_2:
0x23: {  	p1 =	sne.s32 s12, $0x7F00;
	[tilespmem:s6+$0x430] =	vst v0;
	s4 =	smov.u32 s12;
	s12 =	sadd.s32 $0x100, s12  }
.Ltmp0:
0x24: {  	[tilespmem:s6+$0x420] =	vst v0;
	(pc) =	sbr.rel @p1 .LBB2_2-.Ltmp0, $3  }
0x25: {  	[tilespmem:s6+$0x400] =	vst v0  }
0x26: {  	[tilespmem:s6+$0x410] =	vst v0;
	_ =	sdelay $0x1  }
0x27: {  	s6 =	sshra.s32 s4, $0x2  }
0x28: {  	[tilespmem:s6+$0x430] =	vst v0  }
0x29: {  	[tilespmem:s6+$0x420] =	vst v0  }
0x2a: {  	[tilespmem:s6+$0x400] =	vst v0  }
0x2b: {  	[tilespmem:s6+$0x410] =	vst v0  }
0x2c: {  	[spmem:s24] =	stream.linear.scatter [tilespmem:s23], [sflag:$0xB], $0x2000, $0x38;
	[tilespmem:$0x1C400] =	vst v63  }
0x2d: {  	_ =	swait.ge [sflag:s1], $0x2000  }
0x2e: {  	[sflag:s1] =	ssyncset.done $0x0  }
0x2f: {  	s0 =	rddreg [dreg:$0x6];
	[sflag:s1] =	ssyncadd.s32 $0xFFFFE000  }
0x30: {  	[spmem:s0] =	stream.linear.scatter [tilespmem:s23], [sflag:$0xB], $0x2000, $0x38;
	[tilespmem:$0x1C400] =	vst v63  }
0x31: {  	_ =	swait.ge [sflag:s1], $0x2000  }
0x32: {  	[sflag:s1] =	ssyncset.done $0x0  }
0x33: {  	s4 =	rddreg [dreg:$0x7];
	[sflag:s1] =	ssyncadd.s32 $0xFFFFE000  }
0x34: {  	[spmem:s4] =	stream.linear.scatter [tilespmem:s23], [sflag:$0xB], $0x2000, $0x38;
	[tilespmem:$0x1C400] =	vst v63  }
0x35: {  	_ =	swait.ge [sflag:s1], $0x2000  }
0x36: {  	[sflag:s1] =	ssyncset.done $0x0  }
0x37: {  	s6 =	rddreg [dreg:$0x8];
	[sflag:s1] =	ssyncadd.s32 $0xFFFFE000  }
0x38: {  	[spmem:s6] =	stream.linear.scatter [tilespmem:s23], [sflag:$0xB], $0x2000, $0x38;
	[tilespmem:$0x1C400] =	vst v63  }
0x39: {  	s24 =	stileid.u32;
	_ =	swait.ge [sflag:s1], $0x2000  }
0x3a: {  	s4 =	sshll.u32 s24, $0x6;
	[sflag:s1] =	ssyncset.done $0x0  }
0x3b: {  	s4 =	sor.u32 $0x1C0B, s4;
	s12 =	rddreg [dreg:$0x9];
	[sflag:s1] =	ssyncadd.s32 $0xFFFFE000  }
0x3c: {  	[spmem:s12] =	stream.linear.scatter [tilespmem:s23], [sflag:$0xB], $0x2000, $0x38;
	[tilespmem:$0x1C400] =	vst v63  }
0x3d: {  	_ =	swait.ge [sflag:s1], $0x2000;
	[dreg:$0x17] =	wrdreg s4  }
0x3e: {  	[sflag:s1] =	ssyncset.done $0x0;
	s12 =	rddreg [dreg:$0xa]  }
0x3f: {  	s24 =	rddreg [dreg:$0x15];
	[sflag:s1] =	ssyncadd.s32 $0xFFFFE000  }
0x40: {  	[spmem:s24@s28], [sflag:s4] =	dma.strided [hbm:s12@s25], $0x1400, s26, $0x8   }
0x41: {  	_ =	swait.ge [sflag:s1], $0x1400  }
0x42: {  	[sflag:s1] =	ssyncset.done $0x0  }
0x43: {  	s4 =	simm.s32 $0x0;
	[sflag:s1] =	ssyncadd.s32 $0xFFFFEC00;
	s1 =	rddreg [dreg:$0xb]  }
0x44: {  	[tilespmem:s4], [sflag:$0x9] =	stream.linear.gather [hbm4b:s1+s4], $0x80, $0x38;
	[tilespmem:$0x1C400] =	vst v63  }
0x45: {  	s6 =	rddreg [dreg:$0xc]  }
0x46: {  	[tilespmem:s7], [sflag:$0x9] =	stream.linear.gather [hbm4b:s6+s4], $0x80, $0x38;
	[tilespmem:$0x1C400] =	vst v63  }
0x47: {  	s12 =	rddreg [dreg:$0xd]  }
0x48: {  	[tilespmem:s31], [sflag:$0x9] =	stream.linear.gather [hbm4b:s12+s4], $0x80, $0x38;
	[tilespmem:$0x1C400] =	vst v63  }
0x49: {  	s24 =	rddreg [dreg:$0xe]  }
0x4a: {  	[tilespmem:s8], [sflag:$0x9] =	stream.linear.gather [hbm4b:s24+s4], $0x80, $0x38;
	[tilespmem:$0x1C400] =	vst v63  }
0x4b: {  	s25 =	rddreg [dreg:$0xf]  }
0x4c: {  	[tilespmem:s9], [sflag:$0xA] =	stream.linear.gather [hbm4b:s25+s4], $0x80, $0x38;
	[tilespmem:$0x1C400] =	vst v63  }
0x4d: {  	s1 =	rddreg [dreg:$0x10]  }
0x4e: {  	[tilespmem:s29], [sflag:$0xA] =	stream.linear.gather [hbm4b:s1+s4], $0x80, $0x38;
	[tilespmem:$0x1C400] =	vst v63  }
0x4f: {  	s6 =	rddreg [dreg:$0x11];
	s12 =	simm.s32 $0x180  }
0x50: {  	[tilespmem:s12], [sflag:$0xA] =	stream.linear.gather [hbm4b:s6+s4], $0x80, $0x38;
	[tilespmem:$0x1C400] =	vst v63  }
0x51: {  	s24 =	rddreg [dreg:$0x12];
	s25 =	simm.s32 $0x380  }
0x52: {  	[tilespmem:s25], [sflag:$0xA] =	stream.linear.gather [hbm4b:s24+s4], $0x80, $0x38;
	[tilespmem:$0x1C400] =	vst v63  }
0x53: {  	[bflag:$0x0] =	sbarrier.arrive $0xFFFF  }
0x54: {  	_ =	swait.ge [sflag:s10], $0x80  }
0x55: {  	[sflag:s10] =	ssyncset.done $0x0  }
0x56: {  	[sflag:s10] =	ssyncadd.s32 $0xFFFFFF80  }
0x57: {  	_ =	swait.ge [sflag:s10], $0x80  }
0x58: {  	[sflag:s10] =	ssyncset.done $0x0  }
0x59: {  	[sflag:s10] =	ssyncadd.s32 $0xFFFFFF80  }
0x5a: {  	_ =	swait.ge [sflag:s10], $0x80  }
0x5b: {  	[sflag:s10] =	ssyncset.done $0x0  }
0x5c: {  	[sflag:s10] =	ssyncadd.s32 $0xFFFFFF80  }
0x5d: {  	_ =	swait.ge [sflag:s10], $0x80  }
0x5e: {  	[sflag:s10] =	ssyncset.done $0x0  }
0x5f: {  	[sflag:s10] =	ssyncadd.s32 $0xFFFFFF80  }
0x60: {  	[tilespmem:s23], [sflag:$0x1] =	stream.indirect.gather [spmem:s3], $0x40, s30, s31, $0xb8;
	[tilespmem:$0x1C400] =	vst v63  }
0x61: {  	_ = 	snop  }
0x62: {  	[tilespmem:s11], [sflag:$0x2] =	stream.indirect.gather [spmem:s3], $0x40, s31, s31, $0xb8;
	[tilespmem:$0x1C400] =	vst v63  }
0x63: {  	_ =	swait.ge [sflag:s13], $0x80  }
0x64: {  	[sflag:s13] =	ssyncset.done $0x0  }
0x65: {  	[sflag:s13] =	ssyncadd.s32 $0xFFFFFF80  }
0x66: {  	_ =	swait.ge [sflag:s13], $0x80  }
0x67: {  	[sflag:s13] =	ssyncset.done $0x0  }
0x68: {  	[sflag:s13] =	ssyncadd.s32 $0xFFFFFF80  }
0x69: {  	_ =	swait.ge [sflag:s13], $0x80  }
0x6a: {  	[sflag:s13] =	ssyncset.done $0x0  }
0x6b: {  	[sflag:s13] =	ssyncadd.s32 $0xFFFFFF80  }
0x6c: {  	_ =	swait.ge [sflag:s13], $0x80  }
0x6d: {  	[sflag:s13] =	ssyncset.done $0x0  }
0x6e: {  	[sflag:s13] =	ssyncadd.s32 $0xFFFFFF80  }
0x6f: {  	[tilespmem:s14], [sflag:$0x3] =	stream.indirect.gather [spmem:s3], $0x40, s9, s31, $0xb8;
	[tilespmem:$0x1C400] =	vst v63  }
0x70: {  	_ = 	snop  }
0x71: {  	[tilespmem:s15], [sflag:$0x4] =	stream.indirect.gather [spmem:s3], $0x40, s12, s31, $0xb8;
	[tilespmem:$0x1C400] =	vst v63  }
0x72: {  	_ =	swait.ge [sflag:s26], $0x2000  }
0x73: {  	[sflag:s26] =	ssyncset.done $0x0  }
0x74: {  	[sflag:s26] =	ssyncadd.s32 $0xFFFFE000  }
0x75: {  	[spmem:s2] =	stream.indirect.scatter.add.f32 [tilespmem:s23], [sflag:$0x5], $0x40, s7, s31, $0xb8;
	[tilespmem:$0x1C400] =	vst v63  }
0x76: {  	_ =	swait.ge [sflag:s16], $0x2000  }
0x77: {  	[sflag:s16] =	ssyncset.done $0x0  }
0x78: {  	[sflag:s16] =	ssyncadd.s32 $0xFFFFE000  }
0x79: {  	[spmem:s2] =	stream.indirect.scatter.add.f32 [tilespmem:s11], [sflag:$0x6], $0x40, s8, s31, $0xb8;
	[tilespmem:$0x1C400] =	vst v63  }
0x7a: {  	_ =	swait.ge [sflag:s17], $0x2000  }
0x7b: {  	[sflag:s17] =	ssyncset.done $0x0  }
0x7c: {  	[sflag:s17] =	ssyncadd.s32 $0xFFFFE000  }
0x7d: {  	[spmem:s2] =	stream.indirect.scatter.add.f32 [tilespmem:s14], [sflag:$0x7], $0x40, s29, s31, $0xb8;
	[tilespmem:$0x1C400] =	vst v63  }
0x7e: {  	_ =	swait.ge [sflag:s18], $0x2000  }
0x7f: {  	[sflag:s18] =	ssyncset.done $0x0  }
0x80: {  	[sflag:s18] =	ssyncadd.s32 $0xFFFFE000  }
0x81: {  	[spmem:s2] =	stream.indirect.scatter.add.f32 [tilespmem:s15], [sflag:$0x8], $0x40, s25, s31, $0xb8;
	[tilespmem:$0x1C400] =	vst v63  }
0x82: {  	_ =	swait.ge [sflag:s19], $0x2000  }
0x83: {  	[sflag:s19] =	ssyncset.done $0x0  }
0x84: {  	[sflag:s19] =	ssyncadd.s32 $0xFFFFE000  }
0x85: {  	p1 =	sle.u32 s5, $0x4;
	_ =	swait.ge [sflag:s20], $0x2000  }
0x86: {  	s4 =	sadd.s32 @!p1 $0x0, s22;
	[sflag:s20] =	ssyncset.done $0x0  }
0x87: {  	s6 =	sadd.s32 @!p1 $0x40, s4;
	s12 =	simm.s32 @!p1 $0x0;
	[sflag:s20] =	ssyncadd.s32 $0xFFFFE000  }
0x88: {  	[tilespmem:s12], [sflag:$0x9] =	stream.linear.gather @!p1 [hbm4b:s6+s12], $0x80, $0x38;
	[tilespmem:$0x1C400] =	vst v63  }
0x89: {  	p2 =	sle.u32 s5, $0x5;
	s4 =	sadd.s32 @!p1 $0x9C80, s4;
	s6 =	simm.s32 @!p1 $0x200  }
0x8a: {  	[tilespmem:s6], [sflag:$0x9] =	stream.linear.gather @!p1 [hbm4b:s4+s12], $0x80, $0x38;
	[tilespmem:$0x1C400] =	vst v63  }
0x8b: {  	s4 =	sadd.s32 @!p2 $0x0, s22  }
0x8c: {  	s6 =	simm.s32 @!p2 $0x0;
	s12 =	simm.s32 @!p2 $0x80;
	s24 =	sadd.s32 @!p2 $0x50, s4  }
0x8d: {  	[tilespmem:s12], [sflag:$0x9] =	stream.linear.gather @!p2 [hbm4b:s24+s6], $0x80, $0x38;
	[tilespmem:$0x1C400] =	vst v63  }
0x8e: {  	s4 =	sadd.s32 @!p2 $0x9C90, s4;
	s12 =	simm.s32 @!p2 $0x280  }
0x8f: {  	[tilespmem:s12], [sflag:$0x9] =	stream.linear.gather @!p2 [hbm4b:s4+s6], $0x80, $0x38;
	[tilespmem:$0x1C400] =	vst v63  }
0x90: {  	_ =	swait.ge [sflag:s21], $0x2000  }
0x91: {  	s9 =	simm.s32 $0x100;
	s7 =	simm.s32 $0x300;
	[sflag:s21] =	ssyncset.done $0x0  }
0x92: {  	s8 =	simm.s32 $0x280;
	p1 =	sle.u32 s5, $0x6;
	[sflag:s21] =	ssyncadd.s32 $0xFFFFE000  }
0x93: {  	s24 =	simm.s32 @!p1 $0x0;
	p2 =	sle.u32 s5, $0x7;
	_ =	swait.ge [sflag:s28], $0x2000  }
0x94: {  	s4 =	sadd.s32 @!p1 $0x0, s22;
	s6 =	simm.s32 @!p1 $0x100;
	[sflag:s28] =	ssyncset.done $0x0  }
0x95: {  	s12 =	sadd.s32 @!p1 $0x60, s4;
	s4 =	sadd.s32 @!p1 $0x9CA0, s4;
	[sflag:s28] =	ssyncadd.s32 $0xFFFFE000  }
0x96: {  	[tilespmem:s6], [sflag:$0xA] =	stream.linear.gather @!p1 [hbm4b:s12+s24], $0x80, $0x38;
	[tilespmem:$0x1C400] =	vst v63  }
0x97: {  	s25 =	sadd.s32 @!p2 $0x0, s22;
	s29 =	simm.s32 @!p2 $0x0;
	s6 =	simm.s32 @!p1 $0x300  }
0x98: {  	[tilespmem:s6], [sflag:$0xA] =	stream.linear.gather @!p1 [hbm4b:s4+s24], $0x80, $0x38;
	[tilespmem:$0x1C400] =	vst v63  }
0x99: {  	s12 =	simm.s32 $0x7;
	s4 =	simm.s32 @!p2 $0x180;
	s6 =	sadd.s32 @!p2 $0x70, s25  }
0x9a: {  	[tilespmem:s4], [sflag:$0xA] =	stream.linear.gather @!p2 [hbm4b:s6+s29], $0x80, $0x38;
	[tilespmem:$0x1C400] =	vst v63  }
0x9b: {  	s24 =	sadd.s32 @!p2 $0x9CB0, s25;
	s6 =	simm.s32 $0x40;
	s4 =	simm.s32 @!p2 $0x380  }
.LBB2_4:
0x9c: {  	s12 =	sadd.s32 $0x4, s12;
	s25 =	smov.u32 s6;
	s6 =	sadd.s32 $0x40, s6  }
0x9d: {  	[tilespmem:s4], [sflag:$0xA] =	stream.linear.gather @!p2 [hbm4b:s24+s29], $0x80, $0x38;
	[tilespmem:$0x1C400] =	vst v63  }
0x9e: {  	p1 =	sne.s32 s6, $0x9C0;
	_ =	swait.ge [sflag:s10], $0x80  }
0x9f: {  	[sflag:s10] =	ssyncset.done $0x0  }
0xa0: {  	[sflag:s10] =	ssyncadd.s32 $0xFFFFFF80  }
0xa1: {  	_ =	swait.ge [sflag:s10], $0x80  }
0xa2: {  	[sflag:s10] =	ssyncset.done $0x0  }
0xa3: {  	[sflag:s10] =	ssyncadd.s32 $0xFFFFFF80  }
0xa4: {  	_ =	swait.ge [sflag:s10], $0x80  }
0xa5: {  	[sflag:s10] =	ssyncset.done $0x0  }
0xa6: {  	[sflag:s10] =	ssyncadd.s32 $0xFFFFFF80  }
0xa7: {  	_ =	swait.ge [sflag:s10], $0x80  }
0xa8: {  	[sflag:s10] =	ssyncset.done $0x0  }
0xa9: {  	[sflag:s10] =	ssyncadd.s32 $0xFFFFFF80  }
0xaa: {  	[tilespmem:s23], [sflag:$0x1] =	stream.indirect.gather [spmem:s3], $0x40, s30, s31, $0xb8;
	[tilespmem:$0x1C400] =	vst v63  }
0xab: {  	_ = 	snop  }
0xac: {  	[tilespmem:s11], [sflag:$0x2] =	stream.indirect.gather [spmem:s3], $0x40, s31, s31, $0xb8;
	[tilespmem:$0x1C400] =	vst v63  }
0xad: {  	_ =	swait.ge [sflag:s13], $0x80  }
0xae: {  	[sflag:s13] =	ssyncset.done $0x0  }
0xaf: {  	[sflag:s13] =	ssyncadd.s32 $0xFFFFFF80  }
0xb0: {  	_ =	swait.ge [sflag:s13], $0x80  }
0xb1: {  	[sflag:s13] =	ssyncset.done $0x0  }
0xb2: {  	[sflag:s13] =	ssyncadd.s32 $0xFFFFFF80  }
0xb3: {  	_ =	swait.ge [sflag:s13], $0x80  }
0xb4: {  	[sflag:s13] =	ssyncset.done $0x0  }
0xb5: {  	[sflag:s13] =	ssyncadd.s32 $0xFFFFFF80  }
0xb6: {  	_ =	swait.ge [sflag:s13], $0x80  }
0xb7: {  	[sflag:s13] =	ssyncset.done $0x0  }
0xb8: {  	[sflag:s13] =	ssyncadd.s32 $0xFFFFFF80  }
0xb9: {  	[tilespmem:s14], [sflag:$0x3] =	stream.indirect.gather [spmem:s3], $0x40, s9, s31, $0xb8;
	[tilespmem:$0x1C400] =	vst v63  }
0xba: {  	s0 =	simm.s32 $0x180  }
0xbb: {  	[tilespmem:s15], [sflag:$0x4] =	stream.indirect.gather [spmem:s3], $0x40, s0, s31, $0xb8;
	[tilespmem:$0x1C400] =	vst v63  }
0xbc: {  	_ =	swait.ge [sflag:s26], $0x2000  }
0xbd: {  	[sflag:s26] =	ssyncset.done $0x0  }
0xbe: {  	s0 =	simm.s32 $0x200;
	[sflag:s26] =	ssyncadd.s32 $0xFFFFE000  }
0xbf: {  	[spmem:s2] =	stream.indirect.scatter.add.f32 [tilespmem:s23], [sflag:$0x5], $0x40, s0, s31, $0xb8;
	[tilespmem:$0x1C400] =	vst v63  }
0xc0: {  	_ =	swait.ge [sflag:s16], $0x2000  }
0xc1: {  	[sflag:s16] =	ssyncset.done $0x0  }
0xc2: {  	[sflag:s16] =	ssyncadd.s32 $0xFFFFE000  }
0xc3: {  	[spmem:s2] =	stream.indirect.scatter.add.f32 [tilespmem:s11], [sflag:$0x6], $0x40, s8, s31, $0xb8;
	[tilespmem:$0x1C400] =	vst v63  }
0xc4: {  	_ =	swait.ge [sflag:s17], $0x2000  }
0xc5: {  	[sflag:s17] =	ssyncset.done $0x0  }
0xc6: {  	[sflag:s17] =	ssyncadd.s32 $0xFFFFE000  }
0xc7: {  	[spmem:s2] =	stream.indirect.scatter.add.f32 [tilespmem:s14], [sflag:$0x7], $0x40, s7, s31, $0xb8;
	[tilespmem:$0x1C400] =	vst v63  }
0xc8: {  	_ =	swait.ge [sflag:s18], $0x2000  }
0xc9: {  	[sflag:s18] =	ssyncset.done $0x0  }
0xca: {  	s0 =	simm.s32 $0x380;
	[sflag:s18] =	ssyncadd.s32 $0xFFFFE000  }
0xcb: {  	[spmem:s2] =	stream.indirect.scatter.add.f32 [tilespmem:s15], [sflag:$0x8], $0x40, s0, s31, $0xb8;
	[tilespmem:$0x1C400] =	vst v63  }
0xcc: {  	_ =	swait.ge [sflag:s19], $0x2000  }
0xcd: {  	[sflag:s19] =	ssyncset.done $0x0  }
0xce: {  	s4 =	sadd.s32 $0xFFFFFFFD, s12;
	[sflag:s19] =	ssyncadd.s32 $0xFFFFE000  }
0xcf: {  	p2 =	sge.u32 s4, s5;
	_ =	swait.ge [sflag:s20], $0x2000  }
0xd0: {  	s24 =	sadd.s32 $0xFFFFFFFE, s12;
	s4 =	sadd.s32 @!p2 s25, s22;
	[sflag:s20] =	ssyncset.done $0x0  }
0xd1: {  	s29 =	sadd.s32 @!p2 $0x40, s4;
	s30 =	simm.s32 @!p2 $0x0;
	[sflag:s20] =	ssyncadd.s32 $0xFFFFE000  }
0xd2: {  	[tilespmem:s30], [sflag:$0x9] =	stream.linear.gather @!p2 [hbm4b:s29+s30], $0x80, $0x38;
	[tilespmem:$0x1C400] =	vst v63  }
0xd3: {  	p3 =	sge.u32 s24, s5;
	s4 =	sadd.s32 @!p2 $0x9C80, s4;
	s29 =	simm.s32 @!p2 $0x200  }
0xd4: {  	[tilespmem:s29], [sflag:$0x9] =	stream.linear.gather @!p2 [hbm4b:s4+s30], $0x80, $0x38;
	[tilespmem:$0x1C400] =	vst v63  }
0xd5: {  	s24 =	simm.s32 @!p3 $0x0;
	s4 =	sadd.s32 @!p3 s25, s22;
	s29 =	simm.s32 @!p3 $0x80  }
0xd6: {  	s1 =	simm.s32 @!p3 $0x280;
	s30 =	sadd.s32 @!p3 $0x50, s4;
	s4 =	sadd.s32 @!p3 $0x9C90, s4  }
0xd7: {  	[tilespmem:s29], [sflag:$0x9] =	stream.linear.gather @!p3 [hbm4b:s30+s24], $0x80, $0x38;
	[tilespmem:$0x1C400] =	vst v63  }
0xd8: {  	_ = 	snop  }
0xd9: {  	[tilespmem:s1], [sflag:$0x9] =	stream.linear.gather @!p3 [hbm4b:s4+s24], $0x80, $0x38;
	[tilespmem:$0x1C400] =	vst v63  }
0xda: {  	_ =	swait.ge [sflag:s21], $0x2000  }
0xdb: {  	p2 =	sge.u32 s12, s5;
	s1 =	sadd.s32 $0xFFFFFFFF, s12;
	[sflag:s21] =	ssyncset.done $0x0  }
0xdc: {  	s29 =	simm.s32 @!p2 $0x0;
	p3 =	sge.u32 s1, s5;
	[sflag:s21] =	ssyncadd.s32 $0xFFFFE000  }
0xdd: {  	s1 =	sadd.s32 @!p3 s25, s22;
	s4 =	simm.s32 @!p3 $0x100;
	_ =	swait.ge [sflag:s28], $0x2000  }
0xde: {  	s30 =	simm.s32 @!p3 $0x0;
	s24 =	sadd.s32 @!p3 $0x60, s1;
	[sflag:s28] =	ssyncset.done $0x0  }
0xdf: {  	s0 =	simm.s32 @!p3 $0x300;
	s1 =	sadd.s32 @!p3 $0x9CA0, s1;
	[sflag:s28] =	ssyncadd.s32 $0xFFFFE000  }
0xe0: {  	[tilespmem:s4], [sflag:$0xA] =	stream.linear.gather @!p3 [hbm4b:s24+s30], $0x80, $0x38;
	[tilespmem:$0x1C400] =	vst v63  }
.Ltmp1:
0xe1: {  	s4 =	sadd.s32 @!p2 s25, s22;
	s25 =	simm.s32 @!p2 $0x180;
	(pc) =	sbr.rel @p1 .LBB2_4-.Ltmp1, $4  }
0xe2: {  	[tilespmem:s0], [sflag:$0xA] =	stream.linear.gather @!p3 [hbm4b:s1+s30], $0x80, $0x38;
	[tilespmem:$0x1C400] =	vst v63  }
0xe3: {  	s30 =	simm.s32 $0x0  }
0xe4: {  	s24 =	sadd.s32 @!p2 $0x9CB0, s4;
	s0 =	sadd.s32 @!p2 $0x70, s4;
	s4 =	simm.s32 @!p2 $0x380  }
0xe5: {  	[tilespmem:s25], [sflag:$0xA] =	stream.linear.gather @!p2 [hbm4b:s0+s29], $0x80, $0x38;
	[tilespmem:$0x1C400] =	vst v63  }
0xe6: {  	[tilespmem:s4], [sflag:$0xA] =	stream.linear.gather @!p2 [hbm4b:s24+s29], $0x80, $0x38;
	[tilespmem:$0x1C400] =	vst v63  }
0xe7: {  	s0 =	simm.s32 @!p0 $0x9  }
0xe8: {  	_ =	swait.ge @!p0 [sflag:s0], $0x80  }
0xe9: {  	[sflag:s0] =	ssyncset.done @!p0 $0x0  }
0xea: {  	[sflag:s0] =	ssyncadd.s32 @!p0 $0xFFFFFF80  }
0xeb: {  	_ =	swait.ge @!p0 [sflag:s0], $0x80  }
0xec: {  	s1 =	simm.s32 @!p0 $0x0;
	[sflag:s0] =	ssyncset.done @!p0 $0x0  }
0xed: {  	s4 =	simm.s32 @!p0 $0x400;
	[sflag:s0] =	ssyncadd.s32 @!p0 $0xFFFFFF80;
	s0 =	simm.s32 @!p0 $0x80  }
0xee: {  	[tilespmem:s4], [sflag:$0x1] =	stream.indirect.gather @!p0 [spmem:s3], $0x40, s1, s0, $0xb8;
	[tilespmem:$0x1C400] =	vst v63  }
0xef: {  	s1 =	simm.s32 @!p0 $0x1  }
0xf0: {  	_ =	swait.ge @!p0 [sflag:s1], $0x2000  }
0xf1: {  	[sflag:s1] =	ssyncset.done @!p0 $0x0  }
0xf2: {  	[sflag:s1] =	ssyncadd.s32 @!p0 $0xFFFFE000;
	s1 =	simm.s32 @!p0 $0x200  }
0xf3: {  	[spmem:s2] =	stream.indirect.scatter.add.f32 @!p0 [tilespmem:s4], [sflag:$0x5], $0x40, s1, s0, $0xb8;
	[tilespmem:$0x1C400] =	vst v63  }
0xf4: {  	s0 =	simm.s32 @!p0 $0x5  }
0xf5: {  	_ =	swait.ge @!p0 [sflag:s0], $0x2000  }
0xf6: {  	[sflag:s0] =	ssyncset.done @!p0 $0x0  }
0xf7: {  	[sflag:s0] =	ssyncadd.s32 @!p0 $0xFFFFE000  }
0xf8: {  	[bflag:$0x0] =	sbarrier.arrive $0xFFFF  }
0xf9: {  	s24 =	rddreg [dreg:$0x5]  }
0xfa: {  	s25 =	simm.s32 $0x10;
	s7 =	rddreg [dreg:$0x13]  }
0xfb: {  	s1 =	simm.s32 $0xB;
	s8 =	rddreg [dreg:$0x17];
	s6 =	sshrl.u32 s24, $0x3  }
0xfc: {  	[hbm:s7@s25], [sflag:s8] =	dma.strided [spmem:s6@s28], $0x1400, s26, $0x8   }
0xfd: {  	_ =	swait.ge [sflag:s1], $0x1400  }
0xfe: {  	s9 =	rddreg [dreg:$0x16]  }
0xff: {  	s12 =	rddreg [dreg:$0x14];
	s4 =	sadd.s32 $0x1, s9  }
0x100: {  	p1 =	sne.s32 s4, s12  }
.Ltmp2:
0x101: {  	_ = 	snop;
	(pc) =	sbr.rel @p1 .LBB2_1-.Ltmp2, $3  }
0x102: {  	_ =	sdelay $0x1  }
0x103: {  	s29 =	simm.s32 $0x300;
	s7 =	simm.s32 $0x200;
	[sflag:s1] =	ssyncset.done $0x0  }
0x104: {  	s8 =	simm.s32 $0x280;
	[sflag:s1] =	ssyncadd.s32 $0xFFFFEC00;
	s9 =	simm.s32 $0x100  }
0x105: {  	_ =	sfence.sel $0x180000  }
0x106: {  	[bflag:$0x0] =	sbarrier.arrive $0xFFFF  }
0x107: {  	_ =	strace $0x9000004A  }
0x108: {  	s0 =	stileid.u32;
	[bflag:$0x2] =	sbarrier.arrive $0xFFFF  }
0x109: {  	p0 =	sne.s32 s0, $0x0;
	s0 =	rddreg [dreg:$0x4]  }
0x10a: {  	s0 =	sadd.s32 @!p0 $0x100000, s0  }
0x10b: {  	[sflag:s0] =	ssyncadd.tile.s32 @!p0 $0x1;
	_ =	shalt  }
.Lfunc_end2:
_tile_overlayer_lowered:
.L_overlay_start_2:
0x10c: {  	(tag) =	ssettag $0x2  }
0x10d: {  	s0 =	rddreg [dreg:$0x0];
	s2 =	stileid.u32  }
0x10e: {  	s1 =	rddreg [dreg:$0x1];
	p0 =	sne.s32 s2, $0x0  }
0x10f: {  	s3 =	rddreg [dreg:$0x2];
	[bflag:$0x3] =	sbarrier.arrive $0xFFFF;
	s2 =	simm.s32 @!p0 $0x1C0B  }
0x110: {  	[timem:s3], [sflag:s2] =	dma.local @!p0 [hbm:s0], s1  }
0x111: {  	s0 =	simm.s32 @!p0 $0xB  }
0x112: {  	_ =	swait.ge @!p0 [sflag:s0], s1  }
0x113: {  	s1 =	ssub.s32 @!p0 $0x0, s1;
	[sflag:s0] =	ssyncset.done @!p0 $0x0  }
0x114: {  	[sflag:s0] =	ssyncadd.s32 @!p0 s1  }
0x115: {  	[bflag:$0x3] =	sbarrier.arrive $0xFFFF  }
0x116: {  	_ =	shalt  }

</sc_bundles>
